<compile_context>
chip_gen: v7x
topology: tpu7x:2x2x1
jax: 0.10.2.dev20260603
libtpu: 0.0.44.dev20260713+nightly
codegen_flags: <defaults>
</compile_context>

<pallas_src>
import functools

import jax
import jax.numpy as jnp
from jax import lax
from jax.experimental import pallas as pl
from jax.experimental.pallas import tpu as pltpu
from jax.experimental.pallas import tpu_sc as plsc

B, T, D = 2, 4096, 4096
_TT = 1024


def _score_body(x_ref, w_ref, s_ref, p_ref):
    xb = x_ref[0]
    w = w_ref[...]
    s = jax.lax.dot_general(
        xb, w,
        (((1,), (0,)), ((), ())),
        precision=jax.lax.Precision.DEFAULT,
        preferred_element_type=jnp.float32,
    )
    s_ref[0] = s
    p_ref[0] = jax.nn.sigmoid(s)


def _scores_probs(x, w):
    nt = (B * T) // _TT
    x3 = x.reshape(nt, _TT, D)
    outs = pl.pallas_call(
        _score_body,
        grid=(nt,),
        in_specs=[
            pl.BlockSpec((1, _TT, D), lambda i: (i, 0, 0)),
            pl.BlockSpec((D, 1), lambda i: (0, 0)),
        ],
        out_specs=[
            pl.BlockSpec((1, _TT, 1), lambda i: (i, 0, 0)),
            pl.BlockSpec((1, _TT, 1), lambda i: (i, 0, 0)),
        ],
        out_shape=[
            jax.ShapeDtypeStruct((nt, _TT, 1), jnp.float32),
            jax.ShapeDtypeStruct((nt, _TT, 1), jnp.float32),
        ],
        compiler_params=pltpu.CompilerParams(
            vmem_limit_bytes=100 * 1024 * 1024),
    )(x3, w.reshape(D, 1))
    return outs[0].reshape(B, T), outs[1].reshape(B, T)


def _mask_body(cap_ref, p_ref, m_ref):
    cap = cap_ref[0, 0]
    p = p_ref[...]
    keys = jax.lax.bitcast_convert_type(p, jnp.int32)
    capv = jnp.full((B, 1), cap, jnp.int32)

    def bis_step(_, lohi):
        lo, hi = lohi
        mid = lo + ((hi - lo + 1) >> 1)
        cnt = jnp.sum((keys >= mid).astype(jnp.int32), axis=-1, keepdims=True)
        ok = cnt >= capv
        return jnp.where(ok, mid, lo), jnp.where(ok, hi, mid - 1)

    lo0 = jnp.zeros((B, 1), jnp.int32)
    hi0 = jnp.full((B, 1), 0x3F800000, jnp.int32)
    kstar, _ = jax.lax.fori_loop(0, 30, bis_step, (lo0, hi0))

    gt = keys > kstar
    eq = keys == kstar
    g = jnp.sum(gt.astype(jnp.int32), axis=-1, keepdims=True)
    rem = capv - g
    eqi = eq.astype(jnp.int32)
    iota = jax.lax.broadcasted_iota(jnp.int32, (B, T), 1)

    def idx_step(_, lohi):
        lo, hi = lohi
        mid = lo + ((hi - lo + 1) >> 1)
        cnt = jnp.sum(jnp.where(iota < mid, eqi, 0), axis=-1, keepdims=True)
        ok = cnt <= rem
        return jnp.where(ok, mid, lo), jnp.where(ok, hi, mid - 1)

    lo0i = jnp.zeros((B, 1), jnp.int32)
    hi0i = jnp.full((B, 1), T, jnp.int32)
    cstar, _ = jax.lax.fori_loop(0, 13, idx_step, (lo0i, hi0i))

    m_ref[...] = (gt | (eq & (iota < cstar))).astype(jnp.float32)


def _mask(probs, cap2d):
    return pl.pallas_call(
        _mask_body,
        in_specs=[
            pl.BlockSpec((1, 1), lambda: (0, 0)),
            pl.BlockSpec((B, T), lambda: (0, 0)),
        ],
        out_specs=pl.BlockSpec((B, T), lambda: (0, 0)),
        out_shape=jax.ShapeDtypeStruct((B, T), jnp.float32),
    )(cap2d, probs)


_L = 16
_NV = T // _L


def _mask_sc(probs, capv):
    mesh = plsc.VectorSubcoreMesh(core_axis_name="c", subcore_axis_name="s")

    @functools.partial(
        pl.kernel,
        out_type=jax.ShapeDtypeStruct((B * T,), jnp.float32),
        mesh=mesh,
        scratch_types=[
            pltpu.VMEM((T,), jnp.float32),
            pltpu.VMEM((T,), jnp.int32),
            pltpu.VMEM((T,), jnp.float32),
            pltpu.VMEM((_L,), jnp.int32),
        ],
    )
    def k(probs_hbm, cap_hbm, out_hbm, pv, kv, mv, capv_ref):
        row = lax.axis_index("c")
        sub = lax.axis_index("s")

        @pl.when(sub == 0)
        def _():
            pltpu.sync_copy(probs_hbm.at[pl.ds(row * T, T)], pv)
            pltpu.sync_copy(cap_hbm, capv_ref)
            capk = capv_ref[...]
            def mk(i, carry):
                kv[pl.ds(i * _L, _L)] = lax.bitcast_convert_type(
                    pv[pl.ds(i * _L, _L)], jnp.int32)
                return carry
            lax.fori_loop(0, _NV, mk, 0)

            lanes = lax.iota(jnp.int32, _L)

            def splat_total(v):
                for stride in (8, 4, 2, 1):
                    v = v + v.at[lanes ^ stride].get(
                        mode="promise_in_bounds")
                return v

            def count_ge(thr):
                def body(j, acc):
                    for u in range(8):
                        kk = kv[pl.ds((j * 8 + u) * _L, _L)]
                        acc = acc + jnp.where(kk >= thr, 1, 0)
                    return acc
                return lax.fori_loop(0, _NV // 8, body,
                                     jnp.zeros((_L,), jnp.int32))

            def bstep(_, lh):
                lo, hi = lh
                mid = lo + ((hi - lo + 1) >> 1)
                ok = splat_total(count_ge(mid)) >= capk
                return (jnp.where(ok, mid, lo), jnp.where(ok, hi, mid - 1))

            lo0 = jnp.zeros((_L,), jnp.int32)
            hi0 = jnp.full((_L,), 0x3F800000, jnp.int32)
            kstar, _ = lax.fori_loop(0, 30, bstep, (lo0, hi0))

            rem = capk - splat_total(count_ge(kstar + 1))

            def wstep(i, carry):
                kk = kv[pl.ds(i * _L, _L)]
                gt = kk > kstar
                eq = kk == kstar
                eqi = jnp.where(eq, 1, 0)
                csum = eqi
                for stride in (1, 2, 4, 8):
                    shifted = csum.at[jnp.maximum(lanes - stride, 0)].get(
                        mode="promise_in_bounds")
                    csum = csum + jnp.where(lanes >= stride, shifted, 0)
                pref = carry + csum - eqi
                take = jnp.logical_or(gt, jnp.logical_and(eq, pref < rem))
                mv[pl.ds(i * _L, _L)] = jnp.where(take, 1.0, 0.0)
                return carry + splat_total(eqi)
            lax.fori_loop(0, _NV, wstep, jnp.zeros((_L,), jnp.int32))

            pltpu.sync_copy(mv, out_hbm.at[pl.ds(row * T, T)])

    return k(probs.reshape(B * T), capv).reshape(B, T)


def _zloss_body(s_ref, z_ref):
    s = s_ref[...]
    m = jnp.max(s, axis=-1, keepdims=True)
    lse = m + jnp.log(jnp.sum(jnp.exp(s - m), axis=-1, keepdims=True))
    z_ref[...] = jnp.mean(lse * lse).reshape(1, 1)


def _zloss(scores):
    return pl.pallas_call(
        _zloss_body,
        in_specs=[pl.BlockSpec((B, T), lambda: (0, 0))],
        out_specs=pl.BlockSpec((1, 1), lambda: (0, 0)),
        out_shape=jax.ShapeDtypeStruct((1, 1), jnp.float32),
    )(scores)


def kernel(x, capacity, W):
    scores, probs = _scores_probs(x, W)
    capv = jnp.full((_L,), capacity, jnp.int32)
    mask = _mask_sc(probs, capv)
    z = _zloss(scores)
    return (mask, probs, z[0, 0])

# --- scband reference (transcript-rebuilt; emitter-appended) ---
"""Pipeline reference for scband-token-router-8555574854267 (READ-ONLY COPY).

The authoritative reference and input builder live on the scoring server;
editing this copy changes nothing except your own understanding.
"""

import jax, jax.numpy as jnp
import numpy as np

B, T, D = 2, 4096, 4096

def setup_inputs(seed: int = 0) -> dict:
    key = jax.random.key(seed)
    k1, k2 = jax.random.split(key)
    x = jax.random.normal(k1, (B, T, D), dtype=jnp.float32)
    # nn.Linear(d_model, 1, bias=False) weight: [1, d_model]
    W = jax.random.normal(k2, (1, D), dtype=jnp.float32) * (1.0 / np.sqrt(D))
    return {"x": x, "capacity": 2048, "W": W}

def reference(x, capacity, W):
    # scores = self.proj(x).squeeze(-1)
    scores = jnp.squeeze(jnp.matmul(x, W.T), -1)  # [B, T]
    router_probs = jax.nn.sigmoid(scores)
    seq_len = x.shape[1]
    _, top_indices = jax.lax.top_k(router_probs, seq_len)  # [B, T]
    batch_idx = jnp.arange(x.shape[0])[:, None]
    rank_vals = (jnp.arange(seq_len) < capacity).astype(router_probs.dtype)
    mask = jnp.zeros_like(router_probs).at[batch_idx, top_indices].set(rank_vals)
    z_loss = jnp.mean(jnp.square(jax.scipy.special.logsumexp(scores, axis=-1)))
    return (mask, router_probs, z_loss)

if __name__ == "__main__":
    import jax
    _d = setup_inputs()
    print(jax.jit(kernel)(*tuple(_d.values())))

</pallas_src>

<mosaic_0001>
#map = affine_map<(d0, d1) -> (0)>
module attributes {stable_mosaic.version = 14 : i64} {
  func.func @k(%arg0: i32, %arg1: i32, %arg2: memref<8192xf32, #tpu.memory_space<hbm>>, %arg3: memref<16xi32, #tpu.memory_space<hbm>>, %arg4: memref<8192xf32, #tpu.memory_space<hbm>>, %arg5: memref<4096xf32, #tpu.memory_space<vmem>>, %arg6: memref<4096xi32, #tpu.memory_space<vmem>>, %arg7: memref<4096xf32, #tpu.memory_space<vmem>>, %arg8: memref<16xi32, #tpu.memory_space<vmem>>) attributes {dimension_semantics = [#tpu.dimension_semantics<core_parallel>, #tpu.dimension_semantics<subcore_parallel>], iteration_bounds = array<i64: 2, 16>, scalar_prefetch = 0 : i64, scratch_operands = 4 : i64, tpu.core_type = #tpu.core_type<sc_vector_subcore>, window_params = [{transform_indices = #map}, {transform_indices = #map}, {transform_indices = #map}]} {
    %eq3A = arith.constant 0 : i32
    %eq3A_0 = arith.cmpi eq, %arg1, %eq3A : i32
    %convert_element_type3A = arith.extui %eq3A_0 : i1 to i32
    %cond3A = arith.constant 0 : i32
    %cond3A_1 = arith.cmpi ne, %convert_element_type3A, %cond3A : i32
    scf.if %cond3A_1 {
      %mul3A = arith.constant 4096 : i32
      %mul3A_2 = arith.muli %arg0, %mul3A : i32
      "tpu.region"() ({
        %run_scoped3A = tpu.sem_alloc : memref<!tpu.dma_semaphore, #tpu.memory_space<semaphore_mem>>
        %dma_start3A = tpu.memref_slice %arg2[%mul3A_2] : memref<8192xf32, #tpu.memory_space<hbm>> -> memref<4096xf32, #tpu.memory_space<hbm>>
        %dma_start3A_91 = tpu.memref_slice %arg2[%mul3A_2] : memref<8192xf32, #tpu.memory_space<hbm>> -> memref<4096xf32, #tpu.memory_space<hbm>>
        tpu.enqueue_dma source(%dma_start3A_91 : memref<4096xf32, #tpu.memory_space<hbm>>) target(%arg5 : memref<4096xf32, #tpu.memory_space<vmem>>) target_semaphore(%run_scoped3A : memref<!tpu.dma_semaphore, #tpu.memory_space<semaphore_mem>>)
        %dma_wait3A = tpu.memref_slice %arg2[%mul3A_2] : memref<8192xf32, #tpu.memory_space<hbm>> -> memref<4096xf32, #tpu.memory_space<hbm>>
        %dma_wait3A_92 = tpu.memref_slice %arg2[%mul3A_2] : memref<8192xf32, #tpu.memory_space<hbm>> -> memref<4096xf32, #tpu.memory_space<hbm>>
        tpu.wait_dma2 semaphore(%run_scoped3A : memref<!tpu.dma_semaphore, #tpu.memory_space<semaphore_mem>>) src(%dma_wait3A_92 : memref<4096xf32, #tpu.memory_space<hbm>>) dst(%arg5 : memref<4096xf32, #tpu.memory_space<vmem>>)
        tpu.yield
      }) : () -> ()
      "tpu.region"() ({
        %run_scoped3A = tpu.sem_alloc : memref<!tpu.dma_semaphore, #tpu.memory_space<semaphore_mem>>
        tpu.enqueue_dma source(%arg3 : memref<16xi32, #tpu.memory_space<hbm>>) target(%arg8 : memref<16xi32, #tpu.memory_space<vmem>>) target_semaphore(%run_scoped3A : memref<!tpu.dma_semaphore, #tpu.memory_space<semaphore_mem>>)
        tpu.wait_dma2 semaphore(%run_scoped3A : memref<!tpu.dma_semaphore, #tpu.memory_space<semaphore_mem>>) src(%arg3 : memref<16xi32, #tpu.memory_space<hbm>>) dst(%arg8 : memref<16xi32, #tpu.memory_space<vmem>>)
        tpu.yield
      }) : () -> ()
      %get3A = arith.constant 0 : index
      %get3A_3 = tpu.vector_load %arg8[%get3A] {strides = array<i32>} : memref<16xi32, #tpu.memory_space<vmem>>, vector<16xi32>,
      %get3A_4 = vector.shape_cast %get3A_3 : vector<16xi32> to vector<16xi32>
      %scan3A = arith.constant 0 : i32
      %scan3A_5 = arith.constant 0 : i32
      %scan3A_6 = arith.constant 256 : i32
      %scan3A_7 = arith.addi %scan3A_5, %scan3A_6 : i32
      %scan3A_8 = arith.constant 1 : i32
      scf.for %scan3A_91 = %scan3A_5 to %scan3A_7 step %scan3A_8  : i32 {
        %mul3A_92 = arith.constant 16 : i32
        %mul3A_93 = arith.muli %scan3A_91, %mul3A_92 : i32
        %get3A_94 = arith.index_cast %mul3A_93 : i32 to index
        %get3A_95 = tpu.vector_load %arg5[%get3A_94] {strides = array<i32>} : memref<4096xf32, #tpu.memory_space<vmem>>, vector<16xf32>,
        %get3A_96 = vector.shape_cast %get3A_95 : vector<16xf32> to vector<16xf32>
        %bitcast_convert_type3A = tpu.bitcast %get3A_96 : vector<16xf32> -> vector<16xi32>
        %mul3A_97 = arith.constant 16 : i32
        %mul3A_98 = arith.muli %scan3A_91, %mul3A_97 : i32
        %swap3A = arith.index_cast %mul3A_98 : i32 to index
        %swap3A_99 = tpu.vector_load %arg6[%swap3A] {strides = array<i32>} : memref<4096xi32, #tpu.memory_space<vmem>>, vector<16xi32>,
        %swap3A_100 = vector.shape_cast %swap3A_99 : vector<16xi32> to vector<16xi32>
        %swap3A_101 = vector.shape_cast %bitcast_convert_type3A : vector<16xi32> to vector<16xi32>
        tpu.vector_store %arg6[%swap3A], %swap3A_101 {strides = array<i32>} : memref<4096xi32, #tpu.memory_space<vmem>>, vector<16xi32>,
      }
      %scan3A_9 = arith.constant 256 : i32
      %iota3A = tpu.iota {dimensions = array<i32: 0>} : vector<16xi32>
      %broadcast_in_dim3A = arith.constant 0 : i32
      %broadcast_in_dim3A_10 = vector.broadcast %broadcast_in_dim3A : i32 to vector<16xi32>
      %broadcast_in_dim3A_11 = arith.constant 1065353216 : i32
      %broadcast_in_dim3A_12 = vector.broadcast %broadcast_in_dim3A_11 : i32 to vector<16xi32>
      %scan3A_13 = arith.constant 0 : i32
      %scan3A_14 = arith.constant 30 : i32
      %scan3A_15 = arith.addi %scan3A_13, %scan3A_14 : i32
      %scan3A_16 = arith.constant 1 : i32
      %scan3A_17:2 = scf.for %scan3A_91 = %scan3A_13 to %scan3A_15 step %scan3A_16 iter_args(%scan3A_92 = %broadcast_in_dim3A_10, %scan3A_93 = %broadcast_in_dim3A_12) -> (vector<16xi32>, vector<16xi32>)  : i32 {
        %sub3A_94 = arith.subi %scan3A_93, %scan3A_92 : vector<16xi32>
        %add3A_95 = arith.constant 1 : i32
        %add3A_96 = vector.broadcast %add3A_95 : i32 to vector<16xi32>
        %add3A_97 = arith.addi %sub3A_94, %add3A_96 : vector<16xi32>
        %shift_right_arithmetic3A = arith.constant 1 : i32
        %shift_right_arithmetic3A_98 = vector.broadcast %shift_right_arithmetic3A : i32 to vector<16xi32>
        %shift_right_arithmetic3A_99 = arith.shrsi %add3A_97, %shift_right_arithmetic3A_98 : vector<16xi32>
        %add3A_100 = arith.addi %scan3A_92, %shift_right_arithmetic3A_99 : vector<16xi32>
        %broadcast_in_dim3A_101 = arith.constant 0 : i32
        %broadcast_in_dim3A_102 = vector.broadcast %broadcast_in_dim3A_101 : i32 to vector<16xi32>
        %scan3A_103 = arith.constant 0 : i32
        %scan3A_104 = arith.constant 32 : i32
        %scan3A_105 = arith.addi %scan3A_103, %scan3A_104 : i32
        %scan3A_106 = arith.constant 1 : i32
        %scan3A_107 = scf.for %scan3A_170 = %scan3A_103 to %scan3A_105 step %scan3A_106 iter_args(%scan3A_171 = %broadcast_in_dim3A_102) -> (vector<16xi32>)  : i32 {
          %mul3A_172 = arith.constant 8 : i32
          %mul3A_173 = arith.muli %scan3A_170, %mul3A_172 : i32
          %add3A_174 = arith.constant 0 : i32
          %add3A_175 = arith.addi %mul3A_173, %add3A_174 : i32
          %mul3A_176 = arith.constant 16 : i32
          %mul3A_177 = arith.muli %add3A_175, %mul3A_176 : i32
          %get3A_178 = arith.index_cast %mul3A_177 : i32 to index
          %get3A_179 = tpu.vector_load %arg6[%get3A_178] {strides = array<i32>} : memref<4096xi32, #tpu.memory_space<vmem>>, vector<16xi32>,
          %get3A_180 = vector.shape_cast %get3A_179 : vector<16xi32> to vector<16xi32>
          %ge3A_181 = arith.cmpi sge, %get3A_180, %add3A_100 : vector<16xi32>
          %jit3A = arith.constant 1 : i32
          %jit3A_182 = arith.constant 0 : i32
          %broadcast_in_dim3A_183 = vector.broadcast %jit3A : i32 to vector<16xi32>
          %broadcast_in_dim3A_184 = vector.broadcast %jit3A_182 : i32 to vector<16xi32>
          %select_n3A_185 = arith.select %ge3A_181, %broadcast_in_dim3A_183, %broadcast_in_dim3A_184 : vector<16xi1>, vector<16xi32>
          %add3A_186 = arith.addi %scan3A_171, %select_n3A_185 : vector<16xi32>
          %mul3A_187 = arith.constant 8 : i32
          %mul3A_188 = arith.muli %scan3A_170, %mul3A_187 : i32
          %add3A_189 = arith.constant 1 : i32
          %add3A_190 = arith.addi %mul3A_188, %add3A_189 : i32
          %mul3A_191 = arith.constant 16 : i32
          %mul3A_192 = arith.muli %add3A_190, %mul3A_191 : i32
          %get3A_193 = arith.index_cast %mul3A_192 : i32 to index
          %get3A_194 = tpu.vector_load %arg6[%get3A_193] {strides = array<i32>} : memref<4096xi32, #tpu.memory_space<vmem>>, vector<16xi32>,
          %get3A_195 = vector.shape_cast %get3A_194 : vector<16xi32> to vector<16xi32>
          %ge3A_196 = arith.cmpi sge, %get3A_195, %add3A_100 : vector<16xi32>
          %jit3A_197 = arith.constant 1 : i32
          %jit3A_198 = arith.constant 0 : i32
          %broadcast_in_dim3A_199 = vector.broadcast %jit3A_197 : i32 to vector<16xi32>
          %broadcast_in_dim3A_200 = vector.broadcast %jit3A_198 : i32 to vector<16xi32>
          %select_n3A_201 = arith.select %ge3A_196, %broadcast_in_dim3A_199, %broadcast_in_dim3A_200 : vector<16xi1>, vector<16xi32>
          %add3A_202 = arith.addi %add3A_186, %select_n3A_201 : vector<16xi32>
          %mul3A_203 = arith.constant 8 : i32
          %mul3A_204 = arith.muli %scan3A_170, %mul3A_203 : i32
          %add3A_205 = arith.constant 2 : i32
          %add3A_206 = arith.addi %mul3A_204, %add3A_205 : i32
          %mul3A_207 = arith.constant 16 : i32
          %mul3A_208 = arith.muli %add3A_206, %mul3A_207 : i32
          %get3A_209 = arith.index_cast %mul3A_208 : i32 to index
          %get3A_210 = tpu.vector_load %arg6[%get3A_209] {strides = array<i32>} : memref<4096xi32, #tpu.memory_space<vmem>>, vector<16xi32>,
          %get3A_211 = vector.shape_cast %get3A_210 : vector<16xi32> to vector<16xi32>
          %ge3A_212 = arith.cmpi sge, %get3A_211, %add3A_100 : vector<16xi32>
          %jit3A_213 = arith.constant 1 : i32
          %jit3A_214 = arith.constant 0 : i32
          %broadcast_in_dim3A_215 = vector.broadcast %jit3A_213 : i32 to vector<16xi32>
          %broadcast_in_dim3A_216 = vector.broadcast %jit3A_214 : i32 to vector<16xi32>
          %select_n3A_217 = arith.select %ge3A_212, %broadcast_in_dim3A_215, %broadcast_in_dim3A_216 : vector<16xi1>, vector<16xi32>
          %add3A_218 = arith.addi %add3A_202, %select_n3A_217 : vector<16xi32>
          %mul3A_219 = arith.constant 8 : i32
          %mul3A_220 = arith.muli %scan3A_170, %mul3A_219 : i32
          %add3A_221 = arith.constant 3 : i32
          %add3A_222 = arith.addi %mul3A_220, %add3A_221 : i32
          %mul3A_223 = arith.constant 16 : i32
          %mul3A_224 = arith.muli %add3A_222, %mul3A_223 : i32
          %get3A_225 = arith.index_cast %mul3A_224 : i32 to index
          %get3A_226 = tpu.vector_load %arg6[%get3A_225] {strides = array<i32>} : memref<4096xi32, #tpu.memory_space<vmem>>, vector<16xi32>,
          %get3A_227 = vector.shape_cast %get3A_226 : vector<16xi32> to vector<16xi32>
          %ge3A_228 = arith.cmpi sge, %get3A_227, %add3A_100 : vector<16xi32>
          %jit3A_229 = arith.constant 1 : i32
          %jit3A_230 = arith.constant 0 : i32
          %broadcast_in_dim3A_231 = vector.broadcast %jit3A_229 : i32 to vector<16xi32>
          %broadcast_in_dim3A_232 = vector.broadcast %jit3A_230 : i32 to vector<16xi32>
          %select_n3A_233 = arith.select %ge3A_228, %broadcast_in_dim3A_231, %broadcast_in_dim3A_232 : vector<16xi1>, vector<16xi32>
          %add3A_234 = arith.addi %add3A_218, %select_n3A_233 : vector<16xi32>
          %mul3A_235 = arith.constant 8 : i32
          %mul3A_236 = arith.muli %scan3A_170, %mul3A_235 : i32
          %add3A_237 = arith.constant 4 : i32
          %add3A_238 = arith.addi %mul3A_236, %add3A_237 : i32
          %mul3A_239 = arith.constant 16 : i32
          %mul3A_240 = arith.muli %add3A_238, %mul3A_239 : i32
          %get3A_241 = arith.index_cast %mul3A_240 : i32 to index
          %get3A_242 = tpu.vector_load %arg6[%get3A_241] {strides = array<i32>} : memref<4096xi32, #tpu.memory_space<vmem>>, vector<16xi32>,
          %get3A_243 = vector.shape_cast %get3A_242 : vector<16xi32> to vector<16xi32>
          %ge3A_244 = arith.cmpi sge, %get3A_243, %add3A_100 : vector<16xi32>
          %jit3A_245 = arith.constant 1 : i32
          %jit3A_246 = arith.constant 0 : i32
          %broadcast_in_dim3A_247 = vector.broadcast %jit3A_245 : i32 to vector<16xi32>
          %broadcast_in_dim3A_248 = vector.broadcast %jit3A_246 : i32 to vector<16xi32>
          %select_n3A_249 = arith.select %ge3A_244, %broadcast_in_dim3A_247, %broadcast_in_dim3A_248 : vector<16xi1>, vector<16xi32>
          %add3A_250 = arith.addi %add3A_234, %select_n3A_249 : vector<16xi32>
          %mul3A_251 = arith.constant 8 : i32
          %mul3A_252 = arith.muli %scan3A_170, %mul3A_251 : i32
          %add3A_253 = arith.constant 5 : i32
          %add3A_254 = arith.addi %mul3A_252, %add3A_253 : i32
          %mul3A_255 = arith.constant 16 : i32
          %mul3A_256 = arith.muli %add3A_254, %mul3A_255 : i32
          %get3A_257 = arith.index_cast %mul3A_256 : i32 to index
          %get3A_258 = tpu.vector_load %arg6[%get3A_257] {strides = array<i32>} : memref<4096xi32, #tpu.memory_space<vmem>>, vector<16xi32>,
          %get3A_259 = vector.shape_cast %get3A_258 : vector<16xi32> to vector<16xi32>
          %ge3A_260 = arith.cmpi sge, %get3A_259, %add3A_100 : vector<16xi32>
          %jit3A_261 = arith.constant 1 : i32
          %jit3A_262 = arith.constant 0 : i32
          %broadcast_in_dim3A_263 = vector.broadcast %jit3A_261 : i32 to vector<16xi32>
          %broadcast_in_dim3A_264 = vector.broadcast %jit3A_262 : i32 to vector<16xi32>
          %select_n3A_265 = arith.select %ge3A_260, %broadcast_in_dim3A_263, %broadcast_in_dim3A_264 : vector<16xi1>, vector<16xi32>
          %add3A_266 = arith.addi %add3A_250, %select_n3A_265 : vector<16xi32>
          %mul3A_267 = arith.constant 8 : i32
          %mul3A_268 = arith.muli %scan3A_170, %mul3A_267 : i32
          %add3A_269 = arith.constant 6 : i32
          %add3A_270 = arith.addi %mul3A_268, %add3A_269 : i32
          %mul3A_271 = arith.constant 16 : i32
          %mul3A_272 = arith.muli %add3A_270, %mul3A_271 : i32
          %get3A_273 = arith.index_cast %mul3A_272 : i32 to index
          %get3A_274 = tpu.vector_load %arg6[%get3A_273] {strides = array<i32>} : memref<4096xi32, #tpu.memory_space<vmem>>, vector<16xi32>,
          %get3A_275 = vector.shape_cast %get3A_274 : vector<16xi32> to vector<16xi32>
          %ge3A_276 = arith.cmpi sge, %get3A_275, %add3A_100 : vector<16xi32>
          %jit3A_277 = arith.constant 1 : i32
          %jit3A_278 = arith.constant 0 : i32
          %broadcast_in_dim3A_279 = vector.broadcast %jit3A_277 : i32 to vector<16xi32>
          %broadcast_in_dim3A_280 = vector.broadcast %jit3A_278 : i32 to vector<16xi32>
          %select_n3A_281 = arith.select %ge3A_276, %broadcast_in_dim3A_279, %broadcast_in_dim3A_280 : vector<16xi1>, vector<16xi32>
          %add3A_282 = arith.addi %add3A_266, %select_n3A_281 : vector<16xi32>
          %mul3A_283 = arith.constant 8 : i32
          %mul3A_284 = arith.muli %scan3A_170, %mul3A_283 : i32
          %add3A_285 = arith.constant 7 : i32
          %add3A_286 = arith.addi %mul3A_284, %add3A_285 : i32
          %mul3A_287 = arith.constant 16 : i32
          %mul3A_288 = arith.muli %add3A_286, %mul3A_287 : i32
          %get3A_289 = arith.index_cast %mul3A_288 : i32 to index
          %get3A_290 = tpu.vector_load %arg6[%get3A_289] {strides = array<i32>} : memref<4096xi32, #tpu.memory_space<vmem>>, vector<16xi32>,
          %get3A_291 = vector.shape_cast %get3A_290 : vector<16xi32> to vector<16xi32>
          %ge3A_292 = arith.cmpi sge, %get3A_291, %add3A_100 : vector<16xi32>
          %jit3A_293 = arith.constant 1 : i32
          %jit3A_294 = arith.constant 0 : i32
          %broadcast_in_dim3A_295 = vector.broadcast %jit3A_293 : i32 to vector<16xi32>
          %broadcast_in_dim3A_296 = vector.broadcast %jit3A_294 : i32 to vector<16xi32>
          %select_n3A_297 = arith.select %ge3A_292, %broadcast_in_dim3A_295, %broadcast_in_dim3A_296 : vector<16xi1>, vector<16xi32>
          %add3A_298 = arith.addi %add3A_282, %select_n3A_297 : vector<16xi32>
          scf.yield %add3A_298 : vector<16xi32>
        }
        %scan3A_108 = arith.constant 32 : i32
        %xor3A_109 = arith.constant 8 : i32
        %xor3A_110 = vector.broadcast %xor3A_109 : i32 to vector<16xi32>
        %xor3A_111 = arith.xori %iota3A, %xor3A_110 : vector<16xi32>
        %lt3A_112 = arith.constant 0 : i32
        %lt3A_113 = vector.broadcast %lt3A_112 : i32 to vector<16xi32>
        %lt3A_114 = arith.cmpi slt, %xor3A_111, %lt3A_113 : vector<16xi32>
        %add3A_115 = arith.constant 16 : i32
        %add3A_116 = vector.broadcast %add3A_115 : i32 to vector<16xi32>
        %add3A_117 = arith.addi %xor3A_111, %add3A_116 : vector<16xi32>
        %select_n3A_118 = arith.select %lt3A_114, %add3A_117, %xor3A_111 : vector<16xi1>, vector<16xi32>
        %broadcast_in_dim3A_119 = vector.shape_cast %select_n3A_118 : vector<16xi32> to vector<16x1xi32>
        %gather3A_120 = vector.shape_cast %broadcast_in_dim3A_119 : vector<16x1xi32> to vector<16xi32>
        %gather3A_121 = tpu.dynamic_gather %scan3A_107[%gather3A_120] in [0] : vector<16xi32>, vector<16xi32> -> vector<16xi32>
        %add3A_122 = arith.addi %scan3A_107, %gather3A_121 : vector<16xi32>
        %xor3A_123 = arith.constant 4 : i32
        %xor3A_124 = vector.broadcast %xor3A_123 : i32 to vector<16xi32>
        %xor3A_125 = arith.xori %iota3A, %xor3A_124 : vector<16xi32>
        %lt3A_126 = arith.constant 0 : i32
        %lt3A_127 = vector.broadcast %lt3A_126 : i32 to vector<16xi32>
        %lt3A_128 = arith.cmpi slt, %xor3A_125, %lt3A_127 : vector<16xi32>
        %add3A_129 = arith.constant 16 : i32
        %add3A_130 = vector.broadcast %add3A_129 : i32 to vector<16xi32>
        %add3A_131 = arith.addi %xor3A_125, %add3A_130 : vector<16xi32>
        %select_n3A_132 = arith.select %lt3A_128, %add3A_131, %xor3A_125 : vector<16xi1>, vector<16xi32>
        %broadcast_in_dim3A_133 = vector.shape_cast %select_n3A_132 : vector<16xi32> to vector<16x1xi32>
        %gather3A_134 = vector.shape_cast %broadcast_in_dim3A_133 : vector<16x1xi32> to vector<16xi32>
        %gather3A_135 = tpu.dynamic_gather %add3A_122[%gather3A_134] in [0] : vector<16xi32>, vector<16xi32> -> vector<16xi32>
        %add3A_136 = arith.addi %add3A_122, %gather3A_135 : vector<16xi32>
        %xor3A_137 = arith.constant 2 : i32
        %xor3A_138 = vector.broadcast %xor3A_137 : i32 to vector<16xi32>
        %xor3A_139 = arith.xori %iota3A, %xor3A_138 : vector<16xi32>
        %lt3A_140 = arith.constant 0 : i32
        %lt3A_141 = vector.broadcast %lt3A_140 : i32 to vector<16xi32>
        %lt3A_142 = arith.cmpi slt, %xor3A_139, %lt3A_141 : vector<16xi32>
        %add3A_143 = arith.constant 16 : i32
        %add3A_144 = vector.broadcast %add3A_143 : i32 to vector<16xi32>
        %add3A_145 = arith.addi %xor3A_139, %add3A_144 : vector<16xi32>
        %select_n3A_146 = arith.select %lt3A_142, %add3A_145, %xor3A_139 : vector<16xi1>, vector<16xi32>
        %broadcast_in_dim3A_147 = vector.shape_cast %select_n3A_146 : vector<16xi32> to vector<16x1xi32>
        %gather3A_148 = vector.shape_cast %broadcast_in_dim3A_147 : vector<16x1xi32> to vector<16xi32>
        %gather3A_149 = tpu.dynamic_gather %add3A_136[%gather3A_148] in [0] : vector<16xi32>, vector<16xi32> -> vector<16xi32>
        %add3A_150 = arith.addi %add3A_136, %gather3A_149 : vector<16xi32>
        %xor3A_151 = arith.constant 1 : i32
        %xor3A_152 = vector.broadcast %xor3A_151 : i32 to vector<16xi32>
        %xor3A_153 = arith.xori %iota3A, %xor3A_152 : vector<16xi32>
        %lt3A_154 = arith.constant 0 : i32
        %lt3A_155 = vector.broadcast %lt3A_154 : i32 to vector<16xi32>
        %lt3A_156 = arith.cmpi slt, %xor3A_153, %lt3A_155 : vector<16xi32>
        %add3A_157 = arith.constant 16 : i32
        %add3A_158 = vector.broadcast %add3A_157 : i32 to vector<16xi32>
        %add3A_159 = arith.addi %xor3A_153, %add3A_158 : vector<16xi32>
        %select_n3A_160 = arith.select %lt3A_156, %add3A_159, %xor3A_153 : vector<16xi1>, vector<16xi32>
        %broadcast_in_dim3A_161 = vector.shape_cast %select_n3A_160 : vector<16xi32> to vector<16x1xi32>
        %gather3A_162 = vector.shape_cast %broadcast_in_dim3A_161 : vector<16x1xi32> to vector<16xi32>
        %gather3A_163 = tpu.dynamic_gather %add3A_150[%gather3A_162] in [0] : vector<16xi32>, vector<16xi32> -> vector<16xi32>
        %add3A_164 = arith.addi %add3A_150, %gather3A_163 : vector<16xi32>
        %ge3A = arith.cmpi sge, %add3A_164, %get3A_4 : vector<16xi32>
        %select_n3A_165 = arith.select %ge3A, %add3A_100, %scan3A_92 : vector<16xi1>, vector<16xi32>
        %sub3A_166 = arith.constant 1 : i32
        %sub3A_167 = vector.broadcast %sub3A_166 : i32 to vector<16xi32>
        %sub3A_168 = arith.subi %add3A_100, %sub3A_167 : vector<16xi32>
        %select_n3A_169 = arith.select %ge3A, %scan3A_93, %sub3A_168 : vector<16xi1>, vector<16xi32>
        scf.yield %select_n3A_165, %select_n3A_169 : vector<16xi32>, vector<16xi32>
      }
      %scan3A_18 = arith.constant 30 : i32
      %add3A = arith.constant 1 : i32
      %add3A_19 = vector.broadcast %add3A : i32 to vector<16xi32>
      %add3A_20 = arith.addi %scan3A_17#0, %add3A_19 : vector<16xi32>
      %broadcast_in_dim3A_21 = arith.constant 0 : i32
      %broadcast_in_dim3A_22 = vector.broadcast %broadcast_in_dim3A_21 : i32 to vector<16xi32>
      %scan3A_23 = arith.constant 0 : i32
      %scan3A_24 = arith.constant 32 : i32
      %scan3A_25 = arith.addi %scan3A_23, %scan3A_24 : i32
      %scan3A_26 = arith.constant 1 : i32
      %scan3A_27 = scf.for %scan3A_91 = %scan3A_23 to %scan3A_25 step %scan3A_26 iter_args(%scan3A_92 = %broadcast_in_dim3A_22) -> (vector<16xi32>)  : i32 {
        %mul3A_93 = arith.constant 8 : i32
        %mul3A_94 = arith.muli %scan3A_91, %mul3A_93 : i32
        %add3A_95 = arith.constant 0 : i32
        %add3A_96 = arith.addi %mul3A_94, %add3A_95 : i32
        %mul3A_97 = arith.constant 16 : i32
        %mul3A_98 = arith.muli %add3A_96, %mul3A_97 : i32
        %get3A_99 = arith.index_cast %mul3A_98 : i32 to index
        %get3A_100 = tpu.vector_load %arg6[%get3A_99] {strides = array<i32>} : memref<4096xi32, #tpu.memory_space<vmem>>, vector<16xi32>,
        %get3A_101 = vector.shape_cast %get3A_100 : vector<16xi32> to vector<16xi32>
        %ge3A = arith.cmpi sge, %get3A_101, %add3A_20 : vector<16xi32>
        %jit3A = arith.constant 1 : i32
        %jit3A_102 = arith.constant 0 : i32
        %broadcast_in_dim3A_103 = vector.broadcast %jit3A : i32 to vector<16xi32>
        %broadcast_in_dim3A_104 = vector.broadcast %jit3A_102 : i32 to vector<16xi32>
        %select_n3A_105 = arith.select %ge3A, %broadcast_in_dim3A_103, %broadcast_in_dim3A_104 : vector<16xi1>, vector<16xi32>
        %add3A_106 = arith.addi %scan3A_92, %select_n3A_105 : vector<16xi32>
        %mul3A_107 = arith.constant 8 : i32
        %mul3A_108 = arith.muli %scan3A_91, %mul3A_107 : i32
        %add3A_109 = arith.constant 1 : i32
        %add3A_110 = arith.addi %mul3A_108, %add3A_109 : i32
        %mul3A_111 = arith.constant 16 : i32
        %mul3A_112 = arith.muli %add3A_110, %mul3A_111 : i32
        %get3A_113 = arith.index_cast %mul3A_112 : i32 to index
        %get3A_114 = tpu.vector_load %arg6[%get3A_113] {strides = array<i32>} : memref<4096xi32, #tpu.memory_space<vmem>>, vector<16xi32>,
        %get3A_115 = vector.shape_cast %get3A_114 : vector<16xi32> to vector<16xi32>
        %ge3A_116 = arith.cmpi sge, %get3A_115, %add3A_20 : vector<16xi32>
        %jit3A_117 = arith.constant 1 : i32
        %jit3A_118 = arith.constant 0 : i32
        %broadcast_in_dim3A_119 = vector.broadcast %jit3A_117 : i32 to vector<16xi32>
        %broadcast_in_dim3A_120 = vector.broadcast %jit3A_118 : i32 to vector<16xi32>
        %select_n3A_121 = arith.select %ge3A_116, %broadcast_in_dim3A_119, %broadcast_in_dim3A_120 : vector<16xi1>, vector<16xi32>
        %add3A_122 = arith.addi %add3A_106, %select_n3A_121 : vector<16xi32>
        %mul3A_123 = arith.constant 8 : i32
        %mul3A_124 = arith.muli %scan3A_91, %mul3A_123 : i32
        %add3A_125 = arith.constant 2 : i32
        %add3A_126 = arith.addi %mul3A_124, %add3A_125 : i32
        %mul3A_127 = arith.constant 16 : i32
        %mul3A_128 = arith.muli %add3A_126, %mul3A_127 : i32
        %get3A_129 = arith.index_cast %mul3A_128 : i32 to index
        %get3A_130 = tpu.vector_load %arg6[%get3A_129] {strides = array<i32>} : memref<4096xi32, #tpu.memory_space<vmem>>, vector<16xi32>,
        %get3A_131 = vector.shape_cast %get3A_130 : vector<16xi32> to vector<16xi32>
        %ge3A_132 = arith.cmpi sge, %get3A_131, %add3A_20 : vector<16xi32>
        %jit3A_133 = arith.constant 1 : i32
        %jit3A_134 = arith.constant 0 : i32
        %broadcast_in_dim3A_135 = vector.broadcast %jit3A_133 : i32 to vector<16xi32>
        %broadcast_in_dim3A_136 = vector.broadcast %jit3A_134 : i32 to vector<16xi32>
        %select_n3A_137 = arith.select %ge3A_132, %broadcast_in_dim3A_135, %broadcast_in_dim3A_136 : vector<16xi1>, vector<16xi32>
        %add3A_138 = arith.addi %add3A_122, %select_n3A_137 : vector<16xi32>
        %mul3A_139 = arith.constant 8 : i32
        %mul3A_140 = arith.muli %scan3A_91, %mul3A_139 : i32
        %add3A_141 = arith.constant 3 : i32
        %add3A_142 = arith.addi %mul3A_140, %add3A_141 : i32
        %mul3A_143 = arith.constant 16 : i32
        %mul3A_144 = arith.muli %add3A_142, %mul3A_143 : i32
        %get3A_145 = arith.index_cast %mul3A_144 : i32 to index
        %get3A_146 = tpu.vector_load %arg6[%get3A_145] {strides = array<i32>} : memref<4096xi32, #tpu.memory_space<vmem>>, vector<16xi32>,
        %get3A_147 = vector.shape_cast %get3A_146 : vector<16xi32> to vector<16xi32>
        %ge3A_148 = arith.cmpi sge, %get3A_147, %add3A_20 : vector<16xi32>
        %jit3A_149 = arith.constant 1 : i32
        %jit3A_150 = arith.constant 0 : i32
        %broadcast_in_dim3A_151 = vector.broadcast %jit3A_149 : i32 to vector<16xi32>
        %broadcast_in_dim3A_152 = vector.broadcast %jit3A_150 : i32 to vector<16xi32>
        %select_n3A_153 = arith.select %ge3A_148, %broadcast_in_dim3A_151, %broadcast_in_dim3A_152 : vector<16xi1>, vector<16xi32>
        %add3A_154 = arith.addi %add3A_138, %select_n3A_153 : vector<16xi32>
        %mul3A_155 = arith.constant 8 : i32
        %mul3A_156 = arith.muli %scan3A_91, %mul3A_155 : i32
        %add3A_157 = arith.constant 4 : i32
        %add3A_158 = arith.addi %mul3A_156, %add3A_157 : i32
        %mul3A_159 = arith.constant 16 : i32
        %mul3A_160 = arith.muli %add3A_158, %mul3A_159 : i32
        %get3A_161 = arith.index_cast %mul3A_160 : i32 to index
        %get3A_162 = tpu.vector_load %arg6[%get3A_161] {strides = array<i32>} : memref<4096xi32, #tpu.memory_space<vmem>>, vector<16xi32>,
        %get3A_163 = vector.shape_cast %get3A_162 : vector<16xi32> to vector<16xi32>
        %ge3A_164 = arith.cmpi sge, %get3A_163, %add3A_20 : vector<16xi32>
        %jit3A_165 = arith.constant 1 : i32
        %jit3A_166 = arith.constant 0 : i32
        %broadcast_in_dim3A_167 = vector.broadcast %jit3A_165 : i32 to vector<16xi32>
        %broadcast_in_dim3A_168 = vector.broadcast %jit3A_166 : i32 to vector<16xi32>
        %select_n3A_169 = arith.select %ge3A_164, %broadcast_in_dim3A_167, %broadcast_in_dim3A_168 : vector<16xi1>, vector<16xi32>
        %add3A_170 = arith.addi %add3A_154, %select_n3A_169 : vector<16xi32>
        %mul3A_171 = arith.constant 8 : i32
        %mul3A_172 = arith.muli %scan3A_91, %mul3A_171 : i32
        %add3A_173 = arith.constant 5 : i32
        %add3A_174 = arith.addi %mul3A_172, %add3A_173 : i32
        %mul3A_175 = arith.constant 16 : i32
        %mul3A_176 = arith.muli %add3A_174, %mul3A_175 : i32
        %get3A_177 = arith.index_cast %mul3A_176 : i32 to index
        %get3A_178 = tpu.vector_load %arg6[%get3A_177] {strides = array<i32>} : memref<4096xi32, #tpu.memory_space<vmem>>, vector<16xi32>,
        %get3A_179 = vector.shape_cast %get3A_178 : vector<16xi32> to vector<16xi32>
        %ge3A_180 = arith.cmpi sge, %get3A_179, %add3A_20 : vector<16xi32>
        %jit3A_181 = arith.constant 1 : i32
        %jit3A_182 = arith.constant 0 : i32
        %broadcast_in_dim3A_183 = vector.broadcast %jit3A_181 : i32 to vector<16xi32>
        %broadcast_in_dim3A_184 = vector.broadcast %jit3A_182 : i32 to vector<16xi32>
        %select_n3A_185 = arith.select %ge3A_180, %broadcast_in_dim3A_183, %broadcast_in_dim3A_184 : vector<16xi1>, vector<16xi32>
        %add3A_186 = arith.addi %add3A_170, %select_n3A_185 : vector<16xi32>
        %mul3A_187 = arith.constant 8 : i32
        %mul3A_188 = arith.muli %scan3A_91, %mul3A_187 : i32
        %add3A_189 = arith.constant 6 : i32
        %add3A_190 = arith.addi %mul3A_188, %add3A_189 : i32
        %mul3A_191 = arith.constant 16 : i32
        %mul3A_192 = arith.muli %add3A_190, %mul3A_191 : i32
        %get3A_193 = arith.index_cast %mul3A_192 : i32 to index
        %get3A_194 = tpu.vector_load %arg6[%get3A_193] {strides = array<i32>} : memref<4096xi32, #tpu.memory_space<vmem>>, vector<16xi32>,
        %get3A_195 = vector.shape_cast %get3A_194 : vector<16xi32> to vector<16xi32>
        %ge3A_196 = arith.cmpi sge, %get3A_195, %add3A_20 : vector<16xi32>
        %jit3A_197 = arith.constant 1 : i32
        %jit3A_198 = arith.constant 0 : i32
        %broadcast_in_dim3A_199 = vector.broadcast %jit3A_197 : i32 to vector<16xi32>
        %broadcast_in_dim3A_200 = vector.broadcast %jit3A_198 : i32 to vector<16xi32>
        %select_n3A_201 = arith.select %ge3A_196, %broadcast_in_dim3A_199, %broadcast_in_dim3A_200 : vector<16xi1>, vector<16xi32>
        %add3A_202 = arith.addi %add3A_186, %select_n3A_201 : vector<16xi32>
        %mul3A_203 = arith.constant 8 : i32
        %mul3A_204 = arith.muli %scan3A_91, %mul3A_203 : i32
        %add3A_205 = arith.constant 7 : i32
        %add3A_206 = arith.addi %mul3A_204, %add3A_205 : i32
        %mul3A_207 = arith.constant 16 : i32
        %mul3A_208 = arith.muli %add3A_206, %mul3A_207 : i32
        %get3A_209 = arith.index_cast %mul3A_208 : i32 to index
        %get3A_210 = tpu.vector_load %arg6[%get3A_209] {strides = array<i32>} : memref<4096xi32, #tpu.memory_space<vmem>>, vector<16xi32>,
        %get3A_211 = vector.shape_cast %get3A_210 : vector<16xi32> to vector<16xi32>
        %ge3A_212 = arith.cmpi sge, %get3A_211, %add3A_20 : vector<16xi32>
        %jit3A_213 = arith.constant 1 : i32
        %jit3A_214 = arith.constant 0 : i32
        %broadcast_in_dim3A_215 = vector.broadcast %jit3A_213 : i32 to vector<16xi32>
        %broadcast_in_dim3A_216 = vector.broadcast %jit3A_214 : i32 to vector<16xi32>
        %select_n3A_217 = arith.select %ge3A_212, %broadcast_in_dim3A_215, %broadcast_in_dim3A_216 : vector<16xi1>, vector<16xi32>
        %add3A_218 = arith.addi %add3A_202, %select_n3A_217 : vector<16xi32>
        scf.yield %add3A_218 : vector<16xi32>
      }
      %scan3A_28 = arith.constant 32 : i32
      %xor3A = arith.constant 8 : i32
      %xor3A_29 = vector.broadcast %xor3A : i32 to vector<16xi32>
      %xor3A_30 = arith.xori %iota3A, %xor3A_29 : vector<16xi32>
      %lt3A = arith.constant 0 : i32
      %lt3A_31 = vector.broadcast %lt3A : i32 to vector<16xi32>
      %lt3A_32 = arith.cmpi slt, %xor3A_30, %lt3A_31 : vector<16xi32>
      %add3A_33 = arith.constant 16 : i32
      %add3A_34 = vector.broadcast %add3A_33 : i32 to vector<16xi32>
      %add3A_35 = arith.addi %xor3A_30, %add3A_34 : vector<16xi32>
      %select_n3A = arith.select %lt3A_32, %add3A_35, %xor3A_30 : vector<16xi1>, vector<16xi32>
      %broadcast_in_dim3A_36 = vector.shape_cast %select_n3A : vector<16xi32> to vector<16x1xi32>
      %gather3A = vector.shape_cast %broadcast_in_dim3A_36 : vector<16x1xi32> to vector<16xi32>
      %gather3A_37 = tpu.dynamic_gather %scan3A_27[%gather3A] in [0] : vector<16xi32>, vector<16xi32> -> vector<16xi32>
      %add3A_38 = arith.addi %scan3A_27, %gather3A_37 : vector<16xi32>
      %xor3A_39 = arith.constant 4 : i32
      %xor3A_40 = vector.broadcast %xor3A_39 : i32 to vector<16xi32>
      %xor3A_41 = arith.xori %iota3A, %xor3A_40 : vector<16xi32>
      %lt3A_42 = arith.constant 0 : i32
      %lt3A_43 = vector.broadcast %lt3A_42 : i32 to vector<16xi32>
      %lt3A_44 = arith.cmpi slt, %xor3A_41, %lt3A_43 : vector<16xi32>
      %add3A_45 = arith.constant 16 : i32
      %add3A_46 = vector.broadcast %add3A_45 : i32 to vector<16xi32>
      %add3A_47 = arith.addi %xor3A_41, %add3A_46 : vector<16xi32>
      %select_n3A_48 = arith.select %lt3A_44, %add3A_47, %xor3A_41 : vector<16xi1>, vector<16xi32>
      %broadcast_in_dim3A_49 = vector.shape_cast %select_n3A_48 : vector<16xi32> to vector<16x1xi32>
      %gather3A_50 = vector.shape_cast %broadcast_in_dim3A_49 : vector<16x1xi32> to vector<16xi32>
      %gather3A_51 = tpu.dynamic_gather %add3A_38[%gather3A_50] in [0] : vector<16xi32>, vector<16xi32> -> vector<16xi32>
      %add3A_52 = arith.addi %add3A_38, %gather3A_51 : vector<16xi32>
      %xor3A_53 = arith.constant 2 : i32
      %xor3A_54 = vector.broadcast %xor3A_53 : i32 to vector<16xi32>
      %xor3A_55 = arith.xori %iota3A, %xor3A_54 : vector<16xi32>
      %lt3A_56 = arith.constant 0 : i32
      %lt3A_57 = vector.broadcast %lt3A_56 : i32 to vector<16xi32>
      %lt3A_58 = arith.cmpi slt, %xor3A_55, %lt3A_57 : vector<16xi32>
      %add3A_59 = arith.constant 16 : i32
      %add3A_60 = vector.broadcast %add3A_59 : i32 to vector<16xi32>
      %add3A_61 = arith.addi %xor3A_55, %add3A_60 : vector<16xi32>
      %select_n3A_62 = arith.select %lt3A_58, %add3A_61, %xor3A_55 : vector<16xi1>, vector<16xi32>
      %broadcast_in_dim3A_63 = vector.shape_cast %select_n3A_62 : vector<16xi32> to vector<16x1xi32>
      %gather3A_64 = vector.shape_cast %broadcast_in_dim3A_63 : vector<16x1xi32> to vector<16xi32>
      %gather3A_65 = tpu.dynamic_gather %add3A_52[%gather3A_64] in [0] : vector<16xi32>, vector<16xi32> -> vector<16xi32>
      %add3A_66 = arith.addi %add3A_52, %gather3A_65 : vector<16xi32>
      %xor3A_67 = arith.constant 1 : i32
      %xor3A_68 = vector.broadcast %xor3A_67 : i32 to vector<16xi32>
      %xor3A_69 = arith.xori %iota3A, %xor3A_68 : vector<16xi32>
      %lt3A_70 = arith.constant 0 : i32
      %lt3A_71 = vector.broadcast %lt3A_70 : i32 to vector<16xi32>
      %lt3A_72 = arith.cmpi slt, %xor3A_69, %lt3A_71 : vector<16xi32>
      %add3A_73 = arith.constant 16 : i32
      %add3A_74 = vector.broadcast %add3A_73 : i32 to vector<16xi32>
      %add3A_75 = arith.addi %xor3A_69, %add3A_74 : vector<16xi32>
      %select_n3A_76 = arith.select %lt3A_72, %add3A_75, %xor3A_69 : vector<16xi1>, vector<16xi32>
      %broadcast_in_dim3A_77 = vector.shape_cast %select_n3A_76 : vector<16xi32> to vector<16x1xi32>
      %gather3A_78 = vector.shape_cast %broadcast_in_dim3A_77 : vector<16x1xi32> to vector<16xi32>
      %gather3A_79 = tpu.dynamic_gather %add3A_66[%gather3A_78] in [0] : vector<16xi32>, vector<16xi32> -> vector<16xi32>
      %add3A_80 = arith.addi %add3A_66, %gather3A_79 : vector<16xi32>
      %sub3A = arith.subi %get3A_4, %add3A_80 : vector<16xi32>
      %broadcast_in_dim3A_81 = arith.constant 0 : i32
      %broadcast_in_dim3A_82 = vector.broadcast %broadcast_in_dim3A_81 : i32 to vector<16xi32>
      %scan3A_83 = arith.constant 0 : i32
      %scan3A_84 = arith.constant 256 : i32
      %scan3A_85 = arith.addi %scan3A_83, %scan3A_84 : i32
      %scan3A_86 = arith.constant 1 : i32
      %scan3A_87 = scf.for %scan3A_91 = %scan3A_83 to %scan3A_85 step %scan3A_86 iter_args(%scan3A_92 = %broadcast_in_dim3A_82) -> (vector<16xi32>)  : i32 {
        %mul3A_93 = arith.constant 16 : i32
        %mul3A_94 = arith.muli %scan3A_91, %mul3A_93 : i32
        %get3A_95 = arith.index_cast %mul3A_94 : i32 to index
        %get3A_96 = tpu.vector_load %arg6[%get3A_95] {strides = array<i32>} : memref<4096xi32, #tpu.memory_space<vmem>>, vector<16xi32>,
        %get3A_97 = vector.shape_cast %get3A_96 : vector<16xi32> to vector<16xi32>
        %gt3A = arith.cmpi sgt, %get3A_97, %scan3A_17#0 : vector<16xi32>
        %eq3A_98 = arith.cmpi eq, %get3A_97, %scan3A_17#0 : vector<16xi32>
        %jit3A = arith.constant 1 : i32
        %jit3A_99 = arith.constant 0 : i32
        %broadcast_in_dim3A_100 = vector.broadcast %jit3A : i32 to vector<16xi32>
        %broadcast_in_dim3A_101 = vector.broadcast %jit3A_99 : i32 to vector<16xi32>
        %select_n3A_102 = arith.select %eq3A_98, %broadcast_in_dim3A_100, %broadcast_in_dim3A_101 : vector<16xi1>, vector<16xi32>
        %sub3A_103 = arith.constant 1 : i32
        %sub3A_104 = vector.broadcast %sub3A_103 : i32 to vector<16xi32>
        %sub3A_105 = arith.subi %iota3A, %sub3A_104 : vector<16xi32>
        %max3A = arith.constant 0 : i32
        %max3A_106 = vector.broadcast %max3A : i32 to vector<16xi32>
        %max3A_107 = arith.maxsi %sub3A_105, %max3A_106 : vector<16xi32>
        %lt3A_108 = arith.constant 0 : i32
        %lt3A_109 = vector.broadcast %lt3A_108 : i32 to vector<16xi32>
        %lt3A_110 = arith.cmpi slt, %max3A_107, %lt3A_109 : vector<16xi32>
        %add3A_111 = arith.constant 16 : i32
        %add3A_112 = vector.broadcast %add3A_111 : i32 to vector<16xi32>
        %add3A_113 = arith.addi %max3A_107, %add3A_112 : vector<16xi32>
        %select_n3A_114 = arith.select %lt3A_110, %add3A_113, %max3A_107 : vector<16xi1>, vector<16xi32>
        %broadcast_in_dim3A_115 = vector.shape_cast %select_n3A_114 : vector<16xi32> to vector<16x1xi32>
        %gather3A_116 = vector.shape_cast %broadcast_in_dim3A_115 : vector<16x1xi32> to vector<16xi32>
        %gather3A_117 = tpu.dynamic_gather %select_n3A_102[%gather3A_116] in [0] : vector<16xi32>, vector<16xi32> -> vector<16xi32>
        %ge3A = arith.constant 1 : i32
        %ge3A_118 = vector.broadcast %ge3A : i32 to vector<16xi32>
        %ge3A_119 = arith.cmpi sge, %iota3A, %ge3A_118 : vector<16xi32>
        %jit3A_120 = arith.constant 0 : i32
        %broadcast_in_dim3A_121 = vector.broadcast %jit3A_120 : i32 to vector<16xi32>
        %select_n3A_122 = arith.select %ge3A_119, %gather3A_117, %broadcast_in_dim3A_121 : vector<16xi1>, vector<16xi32>
        %add3A_123 = arith.addi %select_n3A_102, %select_n3A_122 : vector<16xi32>
        %sub3A_124 = arith.constant 2 : i32
        %sub3A_125 = vector.broadcast %sub3A_124 : i32 to vector<16xi32>
        %sub3A_126 = arith.subi %iota3A, %sub3A_125 : vector<16xi32>
        %max3A_127 = arith.constant 0 : i32
        %max3A_128 = vector.broadcast %max3A_127 : i32 to vector<16xi32>
        %max3A_129 = arith.maxsi %sub3A_126, %max3A_128 : vector<16xi32>
        %lt3A_130 = arith.constant 0 : i32
        %lt3A_131 = vector.broadcast %lt3A_130 : i32 to vector<16xi32>
        %lt3A_132 = arith.cmpi slt, %max3A_129, %lt3A_131 : vector<16xi32>
        %add3A_133 = arith.constant 16 : i32
        %add3A_134 = vector.broadcast %add3A_133 : i32 to vector<16xi32>
        %add3A_135 = arith.addi %max3A_129, %add3A_134 : vector<16xi32>
        %select_n3A_136 = arith.select %lt3A_132, %add3A_135, %max3A_129 : vector<16xi1>, vector<16xi32>
        %broadcast_in_dim3A_137 = vector.shape_cast %select_n3A_136 : vector<16xi32> to vector<16x1xi32>
        %gather3A_138 = vector.shape_cast %broadcast_in_dim3A_137 : vector<16x1xi32> to vector<16xi32>
        %gather3A_139 = tpu.dynamic_gather %add3A_123[%gather3A_138] in [0] : vector<16xi32>, vector<16xi32> -> vector<16xi32>
        %ge3A_140 = arith.constant 2 : i32
        %ge3A_141 = vector.broadcast %ge3A_140 : i32 to vector<16xi32>
        %ge3A_142 = arith.cmpi sge, %iota3A, %ge3A_141 : vector<16xi32>
        %jit3A_143 = arith.constant 0 : i32
        %broadcast_in_dim3A_144 = vector.broadcast %jit3A_143 : i32 to vector<16xi32>
        %select_n3A_145 = arith.select %ge3A_142, %gather3A_139, %broadcast_in_dim3A_144 : vector<16xi1>, vector<16xi32>
        %add3A_146 = arith.addi %add3A_123, %select_n3A_145 : vector<16xi32>
        %sub3A_147 = arith.constant 4 : i32
        %sub3A_148 = vector.broadcast %sub3A_147 : i32 to vector<16xi32>
        %sub3A_149 = arith.subi %iota3A, %sub3A_148 : vector<16xi32>
        %max3A_150 = arith.constant 0 : i32
        %max3A_151 = vector.broadcast %max3A_150 : i32 to vector<16xi32>
        %max3A_152 = arith.maxsi %sub3A_149, %max3A_151 : vector<16xi32>
        %lt3A_153 = arith.constant 0 : i32
        %lt3A_154 = vector.broadcast %lt3A_153 : i32 to vector<16xi32>
        %lt3A_155 = arith.cmpi slt, %max3A_152, %lt3A_154 : vector<16xi32>
        %add3A_156 = arith.constant 16 : i32
        %add3A_157 = vector.broadcast %add3A_156 : i32 to vector<16xi32>
        %add3A_158 = arith.addi %max3A_152, %add3A_157 : vector<16xi32>
        %select_n3A_159 = arith.select %lt3A_155, %add3A_158, %max3A_152 : vector<16xi1>, vector<16xi32>
        %broadcast_in_dim3A_160 = vector.shape_cast %select_n3A_159 : vector<16xi32> to vector<16x1xi32>
        %gather3A_161 = vector.shape_cast %broadcast_in_dim3A_160 : vector<16x1xi32> to vector<16xi32>
        %gather3A_162 = tpu.dynamic_gather %add3A_146[%gather3A_161] in [0] : vector<16xi32>, vector<16xi32> -> vector<16xi32>
        %ge3A_163 = arith.constant 4 : i32
        %ge3A_164 = vector.broadcast %ge3A_163 : i32 to vector<16xi32>
        %ge3A_165 = arith.cmpi sge, %iota3A, %ge3A_164 : vector<16xi32>
        %jit3A_166 = arith.constant 0 : i32
        %broadcast_in_dim3A_167 = vector.broadcast %jit3A_166 : i32 to vector<16xi32>
        %select_n3A_168 = arith.select %ge3A_165, %gather3A_162, %broadcast_in_dim3A_167 : vector<16xi1>, vector<16xi32>
        %add3A_169 = arith.addi %add3A_146, %select_n3A_168 : vector<16xi32>
        %sub3A_170 = arith.constant 8 : i32
        %sub3A_171 = vector.broadcast %sub3A_170 : i32 to vector<16xi32>
        %sub3A_172 = arith.subi %iota3A, %sub3A_171 : vector<16xi32>
        %max3A_173 = arith.constant 0 : i32
        %max3A_174 = vector.broadcast %max3A_173 : i32 to vector<16xi32>
        %max3A_175 = arith.maxsi %sub3A_172, %max3A_174 : vector<16xi32>
        %lt3A_176 = arith.constant 0 : i32
        %lt3A_177 = vector.broadcast %lt3A_176 : i32 to vector<16xi32>
        %lt3A_178 = arith.cmpi slt, %max3A_175, %lt3A_177 : vector<16xi32>
        %add3A_179 = arith.constant 16 : i32
        %add3A_180 = vector.broadcast %add3A_179 : i32 to vector<16xi32>
        %add3A_181 = arith.addi %max3A_175, %add3A_180 : vector<16xi32>
        %select_n3A_182 = arith.select %lt3A_178, %add3A_181, %max3A_175 : vector<16xi1>, vector<16xi32>
        %broadcast_in_dim3A_183 = vector.shape_cast %select_n3A_182 : vector<16xi32> to vector<16x1xi32>
        %gather3A_184 = vector.shape_cast %broadcast_in_dim3A_183 : vector<16x1xi32> to vector<16xi32>
        %gather3A_185 = tpu.dynamic_gather %add3A_169[%gather3A_184] in [0] : vector<16xi32>, vector<16xi32> -> vector<16xi32>
        %ge3A_186 = arith.constant 8 : i32
        %ge3A_187 = vector.broadcast %ge3A_186 : i32 to vector<16xi32>
        %ge3A_188 = arith.cmpi sge, %iota3A, %ge3A_187 : vector<16xi32>
        %jit3A_189 = arith.constant 0 : i32
        %broadcast_in_dim3A_190 = vector.broadcast %jit3A_189 : i32 to vector<16xi32>
        %select_n3A_191 = arith.select %ge3A_188, %gather3A_185, %broadcast_in_dim3A_190 : vector<16xi1>, vector<16xi32>
        %add3A_192 = arith.addi %add3A_169, %select_n3A_191 : vector<16xi32>
        %add3A_193 = arith.addi %scan3A_92, %add3A_192 : vector<16xi32>
        %sub3A_194 = arith.subi %add3A_193, %select_n3A_102 : vector<16xi32>
        %lt3A_195 = arith.cmpi slt, %sub3A_194, %sub3A : vector<16xi32>
        %and3A = arith.andi %eq3A_98, %lt3A_195 : vector<16xi1>
        %or3A = arith.ori %gt3A, %and3A : vector<16xi1>
        %jit3A_196 = arith.constant 1.000000e+00 : f32
        %jit3A_197 = arith.constant 0.000000e+00 : f32
        %broadcast_in_dim3A_198 = vector.broadcast %jit3A_196 : f32 to vector<16xf32>
        %broadcast_in_dim3A_199 = vector.broadcast %jit3A_197 : f32 to vector<16xf32>
        %select_n3A_200 = arith.select %or3A, %broadcast_in_dim3A_198, %broadcast_in_dim3A_199 : vector<16xi1>, vector<16xf32>
        %mul3A_201 = arith.constant 16 : i32
        %mul3A_202 = arith.muli %scan3A_91, %mul3A_201 : i32
        %swap3A = arith.index_cast %mul3A_202 : i32 to index
        %swap3A_203 = tpu.vector_load %arg7[%swap3A] {strides = array<i32>} : memref<4096xf32, #tpu.memory_space<vmem>>, vector<16xf32>,
        %swap3A_204 = vector.shape_cast %swap3A_203 : vector<16xf32> to vector<16xf32>
        %swap3A_205 = vector.shape_cast %select_n3A_200 : vector<16xf32> to vector<16xf32>
        tpu.vector_store %arg7[%swap3A], %swap3A_205 {strides = array<i32>} : memref<4096xf32, #tpu.memory_space<vmem>>, vector<16xf32>,
        %xor3A_206 = arith.constant 8 : i32
        %xor3A_207 = vector.broadcast %xor3A_206 : i32 to vector<16xi32>
        %xor3A_208 = arith.xori %iota3A, %xor3A_207 : vector<16xi32>
        %lt3A_209 = arith.constant 0 : i32
        %lt3A_210 = vector.broadcast %lt3A_209 : i32 to vector<16xi32>
        %lt3A_211 = arith.cmpi slt, %xor3A_208, %lt3A_210 : vector<16xi32>
        %add3A_212 = arith.constant 16 : i32
        %add3A_213 = vector.broadcast %add3A_212 : i32 to vector<16xi32>
        %add3A_214 = arith.addi %xor3A_208, %add3A_213 : vector<16xi32>
        %select_n3A_215 = arith.select %lt3A_211, %add3A_214, %xor3A_208 : vector<16xi1>, vector<16xi32>
        %broadcast_in_dim3A_216 = vector.shape_cast %select_n3A_215 : vector<16xi32> to vector<16x1xi32>
        %gather3A_217 = vector.shape_cast %broadcast_in_dim3A_216 : vector<16x1xi32> to vector<16xi32>
        %gather3A_218 = tpu.dynamic_gather %select_n3A_102[%gather3A_217] in [0] : vector<16xi32>, vector<16xi32> -> vector<16xi32>
        %add3A_219 = arith.addi %select_n3A_102, %gather3A_218 : vector<16xi32>
        %xor3A_220 = arith.constant 4 : i32
        %xor3A_221 = vector.broadcast %xor3A_220 : i32 to vector<16xi32>
        %xor3A_222 = arith.xori %iota3A, %xor3A_221 : vector<16xi32>
        %lt3A_223 = arith.constant 0 : i32
        %lt3A_224 = vector.broadcast %lt3A_223 : i32 to vector<16xi32>
        %lt3A_225 = arith.cmpi slt, %xor3A_222, %lt3A_224 : vector<16xi32>
        %add3A_226 = arith.constant 16 : i32
        %add3A_227 = vector.broadcast %add3A_226 : i32 to vector<16xi32>
        %add3A_228 = arith.addi %xor3A_222, %add3A_227 : vector<16xi32>
        %select_n3A_229 = arith.select %lt3A_225, %add3A_228, %xor3A_222 : vector<16xi1>, vector<16xi32>
        %broadcast_in_dim3A_230 = vector.shape_cast %select_n3A_229 : vector<16xi32> to vector<16x1xi32>
        %gather3A_231 = vector.shape_cast %broadcast_in_dim3A_230 : vector<16x1xi32> to vector<16xi32>
        %gather3A_232 = tpu.dynamic_gather %add3A_219[%gather3A_231] in [0] : vector<16xi32>, vector<16xi32> -> vector<16xi32>
        %add3A_233 = arith.addi %add3A_219, %gather3A_232 : vector<16xi32>
        %xor3A_234 = arith.constant 2 : i32
        %xor3A_235 = vector.broadcast %xor3A_234 : i32 to vector<16xi32>
        %xor3A_236 = arith.xori %iota3A, %xor3A_235 : vector<16xi32>
        %lt3A_237 = arith.constant 0 : i32
        %lt3A_238 = vector.broadcast %lt3A_237 : i32 to vector<16xi32>
        %lt3A_239 = arith.cmpi slt, %xor3A_236, %lt3A_238 : vector<16xi32>
        %add3A_240 = arith.constant 16 : i32
        %add3A_241 = vector.broadcast %add3A_240 : i32 to vector<16xi32>
        %add3A_242 = arith.addi %xor3A_236, %add3A_241 : vector<16xi32>
        %select_n3A_243 = arith.select %lt3A_239, %add3A_242, %xor3A_236 : vector<16xi1>, vector<16xi32>
        %broadcast_in_dim3A_244 = vector.shape_cast %select_n3A_243 : vector<16xi32> to vector<16x1xi32>
        %gather3A_245 = vector.shape_cast %broadcast_in_dim3A_244 : vector<16x1xi32> to vector<16xi32>
        %gather3A_246 = tpu.dynamic_gather %add3A_233[%gather3A_245] in [0] : vector<16xi32>, vector<16xi32> -> vector<16xi32>
        %add3A_247 = arith.addi %add3A_233, %gather3A_246 : vector<16xi32>
        %xor3A_248 = arith.constant 1 : i32
        %xor3A_249 = vector.broadcast %xor3A_248 : i32 to vector<16xi32>
        %xor3A_250 = arith.xori %iota3A, %xor3A_249 : vector<16xi32>
        %lt3A_251 = arith.constant 0 : i32
        %lt3A_252 = vector.broadcast %lt3A_251 : i32 to vector<16xi32>
        %lt3A_253 = arith.cmpi slt, %xor3A_250, %lt3A_252 : vector<16xi32>
        %add3A_254 = arith.constant 16 : i32
        %add3A_255 = vector.broadcast %add3A_254 : i32 to vector<16xi32>
        %add3A_256 = arith.addi %xor3A_250, %add3A_255 : vector<16xi32>
        %select_n3A_257 = arith.select %lt3A_253, %add3A_256, %xor3A_250 : vector<16xi1>, vector<16xi32>
        %broadcast_in_dim3A_258 = vector.shape_cast %select_n3A_257 : vector<16xi32> to vector<16x1xi32>
        %gather3A_259 = vector.shape_cast %broadcast_in_dim3A_258 : vector<16x1xi32> to vector<16xi32>
        %gather3A_260 = tpu.dynamic_gather %add3A_247[%gather3A_259] in [0] : vector<16xi32>, vector<16xi32> -> vector<16xi32>
        %add3A_261 = arith.addi %add3A_247, %gather3A_260 : vector<16xi32>
        %add3A_262 = arith.addi %scan3A_92, %add3A_261 : vector<16xi32>
        scf.yield %add3A_262 : vector<16xi32>
      }
      %scan3A_88 = arith.constant 256 : i32
      %mul3A_89 = arith.constant 4096 : i32
      %mul3A_90 = arith.muli %arg0, %mul3A_89 : i32
      "tpu.region"() ({
        %run_scoped3A = tpu.sem_alloc : memref<!tpu.dma_semaphore, #tpu.memory_space<semaphore_mem>>
        %dma_start3A = tpu.memref_slice %arg4[%mul3A_90] : memref<8192xf32, #tpu.memory_space<hbm>> -> memref<4096xf32, #tpu.memory_space<hbm>>
        %dma_start3A_91 = tpu.memref_slice %arg4[%mul3A_90] : memref<8192xf32, #tpu.memory_space<hbm>> -> memref<4096xf32, #tpu.memory_space<hbm>>
        tpu.enqueue_dma source(%arg7 : memref<4096xf32, #tpu.memory_space<vmem>>) target(%dma_start3A_91 : memref<4096xf32, #tpu.memory_space<hbm>>) target_semaphore(%run_scoped3A : memref<!tpu.dma_semaphore, #tpu.memory_space<semaphore_mem>>)
        %dma_wait3A = tpu.memref_slice %arg4[%mul3A_90] : memref<8192xf32, #tpu.memory_space<hbm>> -> memref<4096xf32, #tpu.memory_space<hbm>>
        %dma_wait3A_92 = tpu.memref_slice %arg4[%mul3A_90] : memref<8192xf32, #tpu.memory_space<hbm>> -> memref<4096xf32, #tpu.memory_space<hbm>>
        tpu.wait_dma2 semaphore(%run_scoped3A : memref<!tpu.dma_semaphore, #tpu.memory_space<semaphore_mem>>) src(%arg7 : memref<4096xf32, #tpu.memory_space<vmem>>) dst(%dma_wait3A_92 : memref<4096xf32, #tpu.memory_space<hbm>>)
        tpu.yield
      }) : () -> ()
    } else {
    }
    return
  }
}

module attributes {stable_mosaic.version = 14 : i64} {
  func.func @_score_body(%arg0: i32, %arg1: memref<1x1024x4096xf32, #tpu.memory_space<vmem>>, %arg2: memref<4096x1xf32, #tpu.memory_space<vmem>>, %arg3: memref<1x1024x1xf32, #tpu.memory_space<vmem>>, %arg4: memref<1x1024x1xf32, #tpu.memory_space<vmem>>) attributes {dimension_semantics = [#tpu.dimension_semantics<arbitrary>], iteration_bounds = array<i64: 8>, scalar_prefetch = 0 : i64, scratch_operands = 0 : i64, tpu.core_type = #tpu.core_type<tc>, window_params = [{transform_indices = @transform_0, window_bounds = array<i64: 1, 1024, 4096>}, {pipeline_mode = #tpu.pipeline_mode<synchronous>, transform_indices = @transform_1, window_bounds = array<i64: 4096, 1>}, {transform_indices = @transform_2, window_bounds = array<i64: 1, 1024, 1>}, {transform_indices = @transform_3, window_bounds = array<i64: 1, 1024, 1>}]} {
    %get3A = arith.constant 0 : index
    %get3A_0 = arith.constant 0 : index
    %get3A_1 = arith.constant 0 : index
    %get3A_2 = vector.load %arg1[%get3A, %get3A_0, %get3A_1] : memref<1x1024x4096xf32, #tpu.memory_space<vmem>>, vector<1x1024x4096xf32>
    %get3A_3 = vector.shape_cast %get3A_2 : vector<1x1024x4096xf32> to vector<1024x4096xf32>
    %get3A_4 = arith.constant 0 : index
    %get3A_5 = arith.constant 0 : index
    %get3A_6 = vector.load %arg2[%get3A_4, %get3A_5] : memref<4096x1xf32, #tpu.memory_space<vmem>>, vector<4096x1xf32>
    %dot_general3A = arith.constant dense<0.000000e+00> : vector<1024x1xf32>
    %dot_general3A_7 = tpu.matmul %get3A_3, %get3A_6, %dot_general3A {dimension_numbers = #tpu.dot_dimension_numbers<[1], [0], [0], [1], [0, 0, 1, 1], [], []>, transpose_lhs_hint = false} : vector<1024x4096xf32>, vector<4096x1xf32>, vector<1024x1xf32> -> vector<1024x1xf32>
    %swap3A = arith.constant 0 : index
    %swap3A_8 = arith.constant 0 : index
    %swap3A_9 = arith.constant 0 : index
    %swap3A_10 = vector.load %arg3[%swap3A, %swap3A_8, %swap3A_9] : memref<1x1024x1xf32, #tpu.memory_space<vmem>>, vector<1x1024x1xf32>
    %swap3A_11 = vector.shape_cast %swap3A_10 : vector<1x1024x1xf32> to vector<1024x1xf32>
    %swap3A_12 = vector.shape_cast %dot_general3A_7 : vector<1024x1xf32> to vector<1x1024x1xf32>
    tpu.vector_store %arg3[%swap3A, %swap3A_8, %swap3A_9], %swap3A_12 {strides = array<i32>} : memref<1x1024x1xf32, #tpu.memory_space<vmem>>, vector<1x1024x1xf32>,
    %logistic3A = arith.negf %dot_general3A_7 : vector<1024x1xf32>
    %logistic3A_13 = math.exp %logistic3A : vector<1024x1xf32>
    %logistic3A_14 = arith.constant 1.000000e+00 : f32
    %logistic3A_15 = vector.broadcast %logistic3A_14 : f32 to vector<1024x1xf32>
    %logistic3A_16 = arith.addf %logistic3A_15, %logistic3A_13 : vector<1024x1xf32>
    %logistic3A_17 = arith.divf %logistic3A_15, %logistic3A_16 : vector<1024x1xf32>
    %swap3A_18 = arith.constant 0 : index
    %swap3A_19 = arith.constant 0 : index
    %swap3A_20 = arith.constant 0 : index
    %swap3A_21 = vector.load %arg4[%swap3A_18, %swap3A_19, %swap3A_20] : memref<1x1024x1xf32, #tpu.memory_space<vmem>>, vector<1x1024x1xf32>
    %swap3A_22 = vector.shape_cast %swap3A_21 : vector<1x1024x1xf32> to vector<1024x1xf32>
    %swap3A_23 = vector.shape_cast %logistic3A_17 : vector<1024x1xf32> to vector<1x1024x1xf32>
    tpu.vector_store %arg4[%swap3A_18, %swap3A_19, %swap3A_20], %swap3A_23 {strides = array<i32>} : memref<1x1024x1xf32, #tpu.memory_space<vmem>>, vector<1x1024x1xf32>,
    return
  }
  func.func @transform_0(%arg0: i32) -> (i32, i32, i32) {
    %c0_i32 = arith.constant 0 : i32
    %c0_i32_0 = arith.constant 0 : i32
    %c0_i32_1 = arith.constant 0 : i32
    return %arg0, %c0_i32, %c0_i32_0 : i32, i32, i32
  }
  func.func @transform_1(%arg0: i32) -> (i32, i32) {
    %c0_i32 = arith.constant 0 : i32
    %c0_i32_0 = arith.constant 0 : i32
    %c0_i32_1 = arith.constant 0 : i32
    return %c0_i32, %c0_i32_0 : i32, i32
  }
  func.func @transform_2(%arg0: i32) -> (i32, i32, i32) {
    %c0_i32 = arith.constant 0 : i32
    %c0_i32_0 = arith.constant 0 : i32
    %c0_i32_1 = arith.constant 0 : i32
    return %arg0, %c0_i32, %c0_i32_0 : i32, i32, i32
  }
  func.func @transform_3(%arg0: i32) -> (i32, i32, i32) {
    %c0_i32 = arith.constant 0 : i32
    %c0_i32_0 = arith.constant 0 : i32
    %c0_i32_1 = arith.constant 0 : i32
    return %arg0, %c0_i32, %c0_i32_0 : i32, i32, i32
  }
}

module attributes {stable_mosaic.version = 14 : i64} {
  func.func @_zloss_body(%arg0: memref<2x4096xf32, #tpu.memory_space<vmem>>, %arg1: memref<1x1xf32, #tpu.memory_space<vmem>>) attributes {dimension_semantics = [], scalar_prefetch = 0 : i64, scratch_operands = 0 : i64, tpu.core_type = #tpu.core_type<tc>} {
    %get3A = arith.constant 0 : index
    %get3A_0 = arith.constant 0 : index
    %get3A_1 = vector.load %arg0[%get3A, %get3A_0] : memref<2x4096xf32, #tpu.memory_space<vmem>>, vector<2x4096xf32>
    %reduce_max3A = arith.constant dense<0xFF800000> : vector<2xf32>
    %reduce_max3A_2 = vector.multi_reduction <maximumf>, %get3A_1, %reduce_max3A [1] : vector<2x4096xf32> to vector<2xf32>
    %broadcast_in_dim3A = vector.shape_cast %reduce_max3A_2 : vector<2xf32> to vector<2x1xf32>
    %sub3A = vector.broadcast %broadcast_in_dim3A : vector<2x1xf32> to vector<2x4096xf32>
    %sub3A_3 = arith.subf %get3A_1, %sub3A : vector<2x4096xf32>
    %exp3A = math.exp %sub3A_3 : vector<2x4096xf32>
    %reduce_sum3A = arith.constant dense<0.000000e+00> : vector<2xf32>
    %reduce_sum3A_4 = vector.multi_reduction <add>, %exp3A, %reduce_sum3A [1] : vector<2x4096xf32> to vector<2xf32>
    %broadcast_in_dim3A_5 = vector.shape_cast %reduce_sum3A_4 : vector<2xf32> to vector<2x1xf32>
    %log3A = math.log %broadcast_in_dim3A_5 : vector<2x1xf32>
    %add3A = arith.addf %broadcast_in_dim3A, %log3A : vector<2x1xf32>
    %mul3A = arith.mulf %add3A, %add3A : vector<2x1xf32>
    %reduce_sum3A_6 = vector.shape_cast %mul3A : vector<2x1xf32> to vector<1x2x1xf32>
    %reduce_sum3A_7 = arith.constant dense<0.000000e+00> : vector<1xf32>
    %reduce_sum3A_8 = vector.multi_reduction <add>, %reduce_sum3A_6, %reduce_sum3A_7 [1, 2] : vector<1x2x1xf32> to vector<1xf32>
    %reduce_sum3A_9 = vector.shape_cast %reduce_sum3A_8 : vector<1xf32> to vector<1x1x1xf32>
    %reduce_sum3A_10 = vector.extract %reduce_sum3A_9[0, 0, 0] : f32 from vector<1x1x1xf32>
    %div3A = arith.constant 2.000000e+00 : f32
    %div3A_11 = arith.divf %reduce_sum3A_10, %div3A : f32
    %reshape3A = vector.broadcast %div3A_11 : f32 to vector<1x1xf32>
    %swap3A = arith.constant 0 : index
    %swap3A_12 = arith.constant 0 : index
    %swap3A_13 = vector.load %arg1[%swap3A, %swap3A_12] : memref<1x1xf32, #tpu.memory_space<vmem>>, vector<1x1xf32>
    tpu.vector_store %arg1[%swap3A, %swap3A_12], %reshape3A {strides = array<i32>} : memref<1x1xf32, #tpu.memory_space<vmem>>, vector<1x1xf32>,
    return
  }
}

</mosaic_0001>

<sc_bundles>
// kernel: kernel.5.cloned.1.call-start
scs
__scs_entry_jumppad:
0x0: {  	(pc) =	sbr.rel $0x88, $3  }
0x1: {  	(tag) =	ssettag $0x0;
	lr =	simm.s32 $0x1  }
0x2: {  	[smem:$0x3F9E] =	sst lr;
	_ =	strace $0xD0000000  }
0x3: {  	_ = 	snop  }
0x4: {  	_ = 	snop  }
0x5: {  	_ = 	snop  }
0x6: {  	_ = 	snop  }
0x7: {  	_ = 	snop  }
__scs_overlays_trampoline_lowered:
0x8: {  	[smem:$0x3FAD] =	sst s0  }
0x9: {  	[smem:$0x3FAE] =	sst s1  }
0xa: {  	[smem:$0x3FAF] =	sst s2  }
0xb: {  	[smem:$0x3FB0] =	sst s3  }
0xc: {  	[smem:$0x3FB1] =	sst s4  }
0xd: {  	[smem:$0x3FB2] =	sst s5  }
0xe: {  	[smem:$0x3FB3] =	sst s6  }
0xf: {  	[smem:$0x3FB4] =	sst s7  }
0x10: {  	[smem:$0x3FB5] =	sst s8  }
0x11: {  	[smem:$0x3FB6] =	sst s9;
	s0 =	simm.s32 @!p0 $0x0  }
0x12: {  	s1 =	sld [smem:$0x3F9C];
	s0 =	simm.s32 @p0 $0x1  }
0x13: {  	[smem:$0x3FB7] =	sst s0;
	s0 =	simm.s32 @!p1 $0x0  }
0x14: {  	s2 =	sld [smem:$0x3F9B];
	s0 =	simm.s32 @p1 $0x1  }
0x15: {  	[smem:$0x3FB8] =	sst s0;
	s0 =	simm.s32 @!p2 $0x0  }
0x16: {  	s3 =	sld [smem:$0x3FDB];
	s0 =	simm.s32 @p2 $0x1  }
0x17: {  	s4 =	simm.s32 $0x1BF5;
	[smem:$0x3FBA] =	sst s0  }
0x18: {  	s0 =	sld [smem:$0x3F9D];
	_ =	swait.ge [sflag:s4], $0x0  }
0x19: {  	s7 =	sld [smem:$0x3F9E]  }
0x1a: {  	s8 =	sadd.s32 $0xFFFFE003, lr  }
0x1b: {  	s9 =	sadd.s32 $0xFFFFFEF7, lr;
	s5 =	simm.s32 $0xFFFFFFFF;
	p2 =	slt.u32 s8, $0xFFFFF086  }
0x1c: {  	p1 =	slt.u32 s9, $0xF7A;
	s5 =	simm.s32 @!p2 $0x0  }
0x1d: {  	s5 =	simm.s32 @p1 $0x1;
	p0 =	seq.s32 s7, s2  }
0x1e: {  	s7 =	smul.u32 @!p0 $0xF7A, s2;
	p2 =	seq.s32 @!p0 s5, $0x0  }
0x1f: {  	s9 =	smul.u32 $0xF7A, s1;
	s8 =	simm.s32 @!p0 $0x1BF5;
	p2 =	por !p2, p0  }
0x20: {  	[sflag:s8] =	ssyncset.s32 @!p0 $0xFFFFF086;
	s6 =	sadd.s32 @!p0 s3, s7;
	s7 =	simm.s32 @!p0 $0x108  }
0x21: {  	s3 =	sadd.s32 s3, s9;
	s6 =	sadd.s32 @!p0 $0x88, s6;
	s7 =	simm.s32 @p2 $0x1082  }
0x22: {  	[simem:s7], [sflag:s8] =	dma.local @!p0 [hbm:s6], $0xF7A  }
0x23: {  	s9 =	sor.u32 $0xD0000000, s2;
	s6 =	simm.s32 $0x108;
	_ =	swait.ge @!p0 [sflag:s8], $0x0  }
0x24: {  	s3 =	sadd.s32 $0x88, s3;
	s6 =	simm.s32 @!p1 $0x1082;
	[sflag:s4] =	ssyncset.s32 $0xFFFFF086  }
0x25: {  	[simem:s6], [sflag:s4] =	dma.local [hbm:s3], $0xF7A  }
0x26: {  	[smem:$0x3F9E] =	sst s1;
	(tag) =	ssettag s2;
	_ =	strace s9  }
0x27: {  	s1 =	sld [smem:$0x3FAE]  }
0x28: {  	s2 =	sld [smem:$0x3FAF]  }
0x29: {  	s4 =	sld [smem:$0x3FB1]  }
0x2a: {  	p0 =	seq.s32 s5, $0x0;
	s5 =	sld [smem:$0x3FB2]  }
0x2b: {  	s6 =	sld [smem:$0x3FB3]  }
0x2c: {  	s7 =	sld [smem:$0x3FB4]  }
0x2d: {  	s3 =	simm.s32 $0x108;
	s8 =	sld [smem:$0x3FB5]  }
0x2e: {  	s3 =	simm.s32 @!p0 $0x1082;
	s9 =	sld [smem:$0x3FB6]  }
0x2f: {  	lr =	sadd.s32 s0, s3;
	s0 =	sld [smem:$0x3FAD]  }
0x30: {  	s3 =	sld [smem:$0x3FB0]  }
0x31: {  	[smem:$0x3FB9] =	sst s10  }
0x32: {  	s10 =	sld [smem:$0x3FB7];
	_ =	sdelay $0x3  }
0x33: {  	p0 =	seq.s32 s10, $0x1;
	s10 =	sld [smem:$0x3FB9];
	_ =	sdelay $0x3  }
0x34: {  	[smem:$0x3FB9] =	sst s10  }
0x35: {  	s10 =	sld [smem:$0x3FB8];
	_ =	sdelay $0x3  }
0x36: {  	p1 =	seq.s32 s10, $0x1;
	s10 =	sld [smem:$0x3FB9];
	_ =	sdelay $0x3  }
0x37: {  	[smem:$0x3FB9] =	sst s10  }
0x38: {  	s10 =	sld [smem:$0x3FBA]  }
0x39: {  	_ = 	snop;
	(pc) =	sbr.ind lr, $3  }
0x3a: {  	_ = 	snop  }
0x3b: {  	_ = 	snop  }
0x3c: {  	p2 =	seq.s32 s10, $0x1;
	s10 =	sld [smem:$0x3FB9]  }
0x3d: {  	_ =	shalt  }
0x3e: {  	_ =	shalt  }
0x3f: {  	_ =	shalt  }
0x40: {  	_ =	shalt  }
0x41: {  	_ =	shalt  }
0x42: {  	_ =	shalt  }
0x43: {  	_ =	shalt  }
0x44: {  	_ =	shalt  }
0x45: {  	_ =	shalt  }
0x46: {  	_ =	shalt  }
0x47: {  	_ =	shalt  }
0x48: {  	_ =	shalt  }
0x49: {  	_ =	shalt  }
0x4a: {  	_ =	shalt  }
0x4b: {  	_ =	shalt  }
0x4c: {  	_ =	shalt  }
0x4d: {  	_ =	shalt  }
0x4e: {  	_ =	shalt  }
0x4f: {  	_ =	shalt  }
0x50: {  	_ =	shalt  }
0x51: {  	_ =	shalt  }
0x52: {  	_ =	shalt  }
0x53: {  	_ =	shalt  }
0x54: {  	_ =	shalt  }
0x55: {  	_ =	shalt  }
0x56: {  	_ =	shalt  }
0x57: {  	_ =	shalt  }
0x58: {  	_ =	shalt  }
0x59: {  	_ =	shalt  }
0x5a: {  	_ =	shalt  }
0x5b: {  	_ =	shalt  }
0x5c: {  	_ =	shalt  }
0x5d: {  	_ =	shalt  }
0x5e: {  	_ =	shalt  }
0x5f: {  	_ =	shalt  }
0x60: {  	_ =	shalt  }
0x61: {  	_ =	shalt  }
0x62: {  	_ =	shalt  }
0x63: {  	_ =	shalt  }
0x64: {  	_ =	shalt  }
0x65: {  	_ =	shalt  }
0x66: {  	_ =	shalt  }
0x67: {  	_ =	shalt  }
0x68: {  	_ =	shalt  }
0x69: {  	_ =	shalt  }
0x6a: {  	_ =	shalt  }
0x6b: {  	_ =	shalt  }
0x6c: {  	_ =	shalt  }
0x6d: {  	_ =	shalt  }
0x6e: {  	_ =	shalt  }
0x6f: {  	_ =	shalt  }
0x70: {  	_ =	shalt  }
0x71: {  	_ =	shalt  }
0x72: {  	_ =	shalt  }
0x73: {  	_ =	shalt  }
0x74: {  	_ =	shalt  }
0x75: {  	_ =	shalt  }
0x76: {  	_ =	shalt  }
0x77: {  	_ =	shalt  }
0x78: {  	_ =	shalt  }
0x79: {  	_ =	shalt  }
0x7a: {  	_ =	shalt  }
0x7b: {  	_ =	shalt  }
0x7c: {  	_ =	shalt  }
0x7d: {  	_ =	shalt  }
0x7e: {  	_ =	shalt  }
0x7f: {  	_ =	shalt  }
0x80: {  	_ =	shalt  }
0x81: {  	_ =	shalt  }
0x82: {  	_ =	shalt  }
0x83: {  	_ =	shalt  }
0x84: {  	_ =	shalt  }
0x85: {  	_ =	shalt  }
0x86: {  	_ =	shalt  }
0x87: {  	_ =	shalt  }
.Lfunc_end0:
.L_simem_size_0:
called_computation_lowered:
.L_overlay_start_0:
0x88: {  	s2 =	sld [smem:$0x3FD9]  }
0x89: {  	s3 =	sld [smem:$0x3FFE];
	_ =	sdelay $0x1  }
0x8a: {  	s1 =	srdreg.scid  }
0x8b: {  	s0 =	sand.u32 $0x1, s1  }
0x8c: {  	s14 =	sshll.u32 s0, $0xA;
	s2 =	sadd.s32 s3, s2  }
0x8d: {  	s2 =	sadd.s32 s2, s14  }
0x8e: {  	[smem:$0x3FC5] =	sst s2  }
0x8f: {  	_ = 	snop  }
0x90: {  	s2 =	sld [smem:$0x3FD0];
	_ =	sdelay $0x2  }
0x91: {  	s15 =	simm.s32 $0xA;
	s4 =	simm.s32 $0x10  }
0x92: {  	[smem:s4], [sflag:s15] =	dma.local [hbm:s2], $0x1  }
0x93: {  	_ =	swait.eq [sflag:s15], $0x1  }
0x94: {  	[sflag:s15] =	ssyncset.done $0x0  }
0x95: {  	[sflag:s15] =	ssyncadd.s32 $0xFFFFFFFF  }
0x96: {  	s16 =	sld [smem:$0x10];
	(tm) =	ssettm $0x1  }
0x97: {  	s17 =	sld [smem:$0x3FFB];
	_ =	sdelay $0x3  }
0x98: {  	_ =	strace s17  }
0x99: {  	s3 =	sld [smem:$0x3FFC];
	_ =	sdelay $0x3  }
0x9a: {  	_ =	strace s3  }
0x9b: {  	s3 =	sld [smem:$0x3FFD];
	_ =	sdelay $0x3  }
0x9c: {  	_ =	strace s3  }
0x9d: {  	_ =	strace $0x8FFFFFFF  }
0x9e: {  	s18 =	sld [smem:$0x3FDB];
	_ =	sdelay $0x1  }
0x9f: {  	s19 =	simm.s32 $_scs_section_size  }
0xa0: {  	s5 =	simm.s32 $_size__tile_overlayer_lowered;
	s6 =	simm.s32 $_tile_overlayer_lowered  }
0xa1: {  	s22 =	simm.s32 $0x1BFF;
	s21 =	sshll.u32 s6, $0x1;
	s3 =	sadd.s32 s19, s18  }
0xa2: {  	s7 =	simm.s32 $0x0;
	s20 =	sshll.u32 s5, $0x1;
	s5 =	sadd.s32 s21, s3  }
0xa3: {  	[timem:s7], [sflag:s22] =	dma.local [hbm:s5], s20  }
0xa4: {  	_ =	swait.ge [sflag:s22], s20  }
0xa5: {  	s4 =	ssub.s32 $0x0, s20;
	[sflag:s22] =	ssyncset.done $0x0  }
0xa6: {  	[sflag:s22] =	ssyncadd.s32 s4;
	_ =	sdelay $0x1  }
0xa7: {  	s23 =	simm.s32 $0x1B8B  }
0xa8: {  	_ =	swait.ge [sflag:s23], $0x1  }
0xa9: {  	[sflag:s23] =	ssyncset.done $0x0  }
0xaa: {  	s25 =	simm.s32 $0x1B8E;
	s24 =	sld [smem:$0x3FFE];
	[sflag:s23] =	ssyncadd.s32 $0xFFFFFFFF  }
0xab: {  	s26 =	simm.s32 $execute0_lowered;
	[smem:$0x3FD2] =	sst s25  }
0xac: {  	s5 =	sshll.u32 s26, $0x1;
	_ =	strace $0x80000046;
	[dreg:$0x1] =	wrdreg $0xFFFFFFFF  }
0xad: {  	s28 =	simm.s32 $_size_execute0_lowered;
	s3 =	sadd.s32 s3, s5;
	[dreg:$0x0] =	wrdreg $0x0  }
0xae: {  	s5 =	sshll.u32 s28, $0x1;
	[dreg:$0x2] =	wrdreg s3  }
0xaf: {  	[dreg:$0x3] =	wrdreg s5  }
0xb0: {  	[dreg:$0x4] =	wrdreg $0xC0  }
0xb1: {  	_ =	task [dreg:s7], $0x5FFFF  }
0xb2: {  	[dreg:$0x1] =	wrdreg $0xFFFFFFFF  }
0xb3: {  	[dreg:$0x0] =	wrdreg $0x60  }
0xb4: {  	[dreg:$0x2] =	wrdreg s16  }
0xb5: {  	[dreg:$0x3] =	wrdreg s24  }
0xb6: {  	[dreg:$0x4] =	wrdreg $0x9  }
0xb7: {  	_ =	task.clear_ibuf [dreg:s7], $0x5FFFF;
	_ =	strace $0x90000046  }
0xb8: {  	s29 =	simm.s32 $0x9;
	_ =	strace $0x80000048  }
0xb9: {  	_ =	swait.ge [sflag:s29], $0x1  }
0xba: {  	[sflag:s29] =	ssyncadd.s32 $0xFFFFFFFF  }
0xbb: {  	_ =	strace $0x90000048  }
0xbc: {  	_ =	sfence  }
0xbd: {  	s30 =	sld [smem:$0x0];
	_ =	sdelay $0x2  }
0xbe: {  	s31 =	sshll.u32 s1, $0xD;
	s1 =	sshrl.u32 s1, $0x2  }
0xbf: {  	s3 =	sand.u32 $0x4000, s31;
	s1 =	sadd.s32 s1, s30  }
0xc0: {  	s0 =	sor.u32 s3, s0;
	s1 =	sshll.u32 s1, $0x11  }
0xc1: {  	s0 =	sor.u32 s1, s0  }
0xc2: {  	s0 =	sadd.s32 $0x8F2B, s0  }
0xc3: {  	[sflag:s0] =	ssyncadd.remote.s32 $0x1  }
0xc4: {  	_ =	sfence.sel $0xFFFF  }
0xc5: {  	[dreg:$0x0] =	wrdreg $0xFFFFFFFF;
	(pc) =	sbr.abs _section_cstart, $3  }
0xc6: {  	[dreg:$0x1] =	wrdreg $0xFFFFFFFF  }
0xc7: {  	_ =	task.clear_ibuf [dreg:s7], $0x2FFFF;
	_ =	strace $0x9FFFFFFF  }
0xc8: {  	(tm) =	ssettm $0x7FFFFFFF  }
0xc9: {  	_ =	shalt  }
tec
execute0_lowered:
.L_overlay_start_1:
0x0: {  	(tag) =	ssettag $0x1  }
0x1: {  	s3 =	stileid.u32  }
0x2: {  	p0 =	sne.s32 s3, $0x0  }
.Ltmp0:
0x3: {  	_ = 	snop;
	(pc) =	sbr.rel @p0 .LBB2_13-.Ltmp0, $4  }
0x4: {  	s4 =	rddreg [dreg:$0x0]  }
0x5: {  	s1 =	rddreg [dreg:$0x1];
	s2 =	simm.s32 $0x0  }
0x6: {  	[smem:$0x7FF] =	sst s2  }
0x7: {  	s0 =	rddreg [dreg:$0x2];
	_ =	strace $0x80000047  }
0x8: {  	v0 =	vimm.s32 $0xFEDCBA98;
	v1 =	vimm.s32 $0x76543210;
	v2 =	vimm.s32 $0xBA98FEDC  }
0x9: {  	v3 =	vimm.s32 $0x32107654;
	v4 =	vimm.s32 $0xDCFE98BA;
	v5 =	vimm.s32 $0x54761032  }
0xa: {  	v6 =	vimm.s32 $0xEFCDAB89;
	v7 =	vimm.s32 $0x67452301;
	v8 =	vimm.s32 $0xEDCBA987  }
0xb: {  	v9 =	vimm.s32 $0x65432100;
	v10 =	vimm.s32 $0xE40000;
	v0 =	vunpack.c.l.s4.s8 v0  }
0xc: {  	v1 =	vunpack.c.l.s4.s8 v1;
	v2 =	vunpack.c.l.s4.s8 v2;
	v3 =	vunpack.c.l.s4.s8 v3  }
0xd: {  	v4 =	vunpack.c.l.s4.s8 v4;
	v5 =	vunpack.c.l.s4.s8 v5;
	v6 =	vunpack.c.l.s4.s8 v6  }
0xe: {  	v7 =	vunpack.c.l.s4.s8 v7;
	v8 =	vunpack.c.l.s4.s8 v8;
	v9 =	vunpack.c.l.s4.s8 v9  }
0xf: {  	v0 =	vunpack.c.0.s8.s32 v0;
	v1 =	vunpack.c.0.s8.s32 v1;
	v2 =	vunpack.c.0.s8.s32 v2  }
0x10: {  	v3 =	vunpack.c.0.s8.s32 v3;
	v4 =	vunpack.c.0.s8.s32 v4;
	v5 =	vunpack.c.0.s8.s32 v5  }
0x11: {  	v6 =	vunpack.c.0.s8.s32 v6;
	v7 =	vunpack.c.0.s8.s32 v7;
	v0 =	vand.u32 $0xF, v0  }
0x12: {  	v8 =	vunpack.c.0.s8.s32 v8;
	v0 =	vcombine.low v0, v1;
	v1 =	vcombine.low v3, v2  }
0x13: {  	v10 =	vunpack.c.l.s2.s4 v10;
	v2 =	vcombine.low v5, v4;
	v3 =	vcombine.low v7, v6  }
0x14: {  	v4 =	vunpack.c.0.s8.s32 v9;
	v5 =	vand.u32 $0xF, v8;
	v7 =	vimm.s32 $0xDCBA9876  }
0x15: {  	v6 =	vimm.s32 $0x54321000;
	v8 =	vimm.s32 $0xBA987654;
	v7 =	vunpack.c.l.s4.s8 v7  }
0x16: {  	v9 =	vimm.s32 $0x32100000;
	v6 =	vunpack.c.l.s4.s8 v6;
	v8 =	vunpack.c.l.s4.s8 v8  }
0x17: {  	v9 =	vunpack.c.l.s4.s8 v9;
	v7 =	vunpack.c.0.s8.s32 v7  }
0x18: {  	v10 =	vunpack.c.l.s4.s8 v10;
	v6 =	vunpack.c.0.s8.s32 v6;
	v8 =	vunpack.c.0.s8.s32 v8  }
0x19: {  	s3 =	srdreg.scid;
	vm0 =	vmmov $0x3;
	v9 =	vunpack.c.0.s8.s32 v9;
	v7 =	vand.u32 $0xF, v7  }
0x1a: {  	s3 =	sand.u32 $0x1, s3;
	v10 =	vunpack.c.0.s8.s32 v10;
	v6 =	vcombine.low v6, v7;
	v7 =	vand.u32 $0xF, v8  }
0x1b: {  	vm1 =	vmmov $0xf;
	s8 =	simm.s32 $0x2000;
	s5 =	sshll.u32 s3, $0x9;
	s6 =	ssub.s32 $0x2, s3;
	v7 =	vcombine.low v9, v7;
	v9 =	vimm.s32 $0x7060504  }
0x1c: {  	vm2 =	vcmask $0x3F30;
	s9 =	simm.s32 $0x0;
	s31 =	sadd.s32 s5, s1;
	s7 =	sshrl.u32 s6, $0x1;
	v10 =	vand.u32 $0x3, v10;
	v9 =	vunpack.c.0.s8.s32 v9  }
0x1d: {  	s4 =	sadd.s32 s4, s5;
	s3 =	sadd.s32 $0x200, s31;
	s6 =	ssub.s32 s6, s7;
	v4 =	vcombine.low v4, v5;
	v5 =	vimm.s32 $0x0;
	v8 =	vlaneseq.u32  }
0x1e: {  	s7 =	simm.s32 $0x3000;
	s5 =	smax.u32 s6, $0x1;
	s6 =	simm.s32 $0x1;
	v9 =	vsel vm2, v9, v10;
	vm2 =	vmmov $0xff;
	v10 =	vimm.f32 $0.0e+00  }
.LBB2_2:
0x1f: {  	s10 =	simm.s32 $0x0  }
0x20: {  	[tilespmem:s10], [sflag:$0x1] =	stream.linear.gather [hbm4b:s4+s10], $0x1000, $0x38;
	[tilespmem:$0x3080] =	vst v63  }
0x21: {  	_ =	swait.ge [sflag:s6], $0x1000  }
0x22: {  	[sflag:s6] =	ssyncset.done $0x0  }
0x23: {  	[sflag:s6] =	ssyncadd.s32 $0xFFFFF000  }
0x24: {  	[tilespmem:s7], [sflag:$0x1] =	stream.linear.gather [hbm4b:s1+s10], $0x80, $0x38;
	[tilespmem:$0x3080] =	vst v63  }
0x25: {  	_ =	swait.ge [sflag:s6], $0x80  }
0x26: {  	[sflag:s6] =	ssyncset.done $0x0  }
0x27: {  	[sflag:s6] =	ssyncadd.s32 $0xFFFFFF80  }
0x28: {  	s11 =	simm.s32 $0x0;
	v12 =	vld [tilespmem:$0x3000]  }
0x29: {  	s12 =	simm.s32 $0x40;
	v11 =	vld [tilespmem:s11+$0x0]  }
.LBB2_3:
0x2a: {  	p1 =	sne.s32 s12, $0x3FC0  }
.Ltmp1:
0x2b: {  	_ = 	snop;
	(pc) =	sbr.rel @p1 .LBB2_3-.Ltmp1, $3  }
0x2c: {  	_ =	sdelay $0x1  }
0x2d: {  	[tilespmem:s11+$0x1000] =	vst v11;
	s11 =	sshra.s32 s12, $0x2;
	s12 =	sadd.s32 $0x40, s12  }
0x2e: {  	v11 =	vld [tilespmem:s11+$0x0]  }
0x2f: {  	_ =	sdelay $0x3  }
0x30: {  	v13 =	vimm.s32 $0x0;
	v14 =	vimm.s32 $0x3F800000;
	[tilespmem:s11+$0x1000] =	vst v11;
	v11 =	vimm.s32 $0x0  }
.LBB2_5:
0x31: {  	s13 =	simm.s32 $0x0  }
0x32: {  	v16 =	vld [tilespmem:s13+$0x1000]  }
0x33: {  	v15 =	vsub.s32 v14, v11;
	v17 =	vld [tilespmem:s13+$0x1010]  }
0x34: {  	v15 =	vadd.s32 $0x1, v15;
	v20 =	vld [tilespmem:s13+$0x1020]  }
0x35: {  	v19 =	vld [tilespmem:s13+$0x1030];
	v15 =	vshra.s32 v15, $0x1  }
0x36: {  	v18 =	vld [tilespmem:s13+$0x1040];
	v15 =	vadd.s32 v11, v15  }
0x37: {  	vm3 =	vge.s32 v16, v15;
	v16 =	vld [tilespmem:s13+$0x1050]  }
0x38: {  	v21 =	vsel vm3, $0x1, v5;
	vm3 =	vge.s32 v17, v15;
	v17 =	vld [tilespmem:s13+$0x1060]  }
0x39: {  	s11 =	simm.s32 $0x80;
	s12 =	simm.s32 $0x400;
	v21 =	vadd.s32 v21, v13;
	v22 =	vsel vm3, $0x1, v5;
	vm3 =	vge.s32 v20, v15;
	v20 =	vld [tilespmem:s13+$0x1070]  }
.LBB2_6:
0x3a: {  	p1 =	sne.s32 s12, $0x3E00;
	v23 =	vld [tilespmem:s11+$0x1000];
	v21 =	vadd.s32 v22, v21;
	v22 =	vsel vm3, $0x1, v5;
	vm3 =	vge.s32 v19, v15  }
0x3b: {  	v24 =	vld [tilespmem:s11+$0x1010];
	v19 =	vadd.s32 v22, v21;
	v21 =	vsel vm3, $0x1, v5;
	vm3 =	vge.s32 v18, v15  }
0x3c: {  	v25 =	vld [tilespmem:s11+$0x1020];
	v18 =	vadd.s32 v21, v19;
	v21 =	vsel vm3, $0x1, v5;
	vm3 =	vge.s32 v16, v15  }
.Ltmp2:
0x3d: {  	v19 =	vld [tilespmem:s11+$0x1030];
	v16 =	vadd.s32 v21, v18;
	v21 =	vsel vm3, $0x1, v5;
	vm3 =	vge.s32 v17, v15;
	(pc) =	sbr.rel @p1 .LBB2_6-.Ltmp2, $4  }
0x3e: {  	v18 =	vld [tilespmem:s11+$0x1040];
	v17 =	vadd.s32 v21, v16;
	v21 =	vsel vm3, $0x1, v5;
	vm3 =	vge.s32 v20, v15  }
0x3f: {  	vm4 =	vge.s32 v23, v15;
	v16 =	vld [tilespmem:s11+$0x1050];
	v20 =	vadd.s32 v21, v17;
	v21 =	vsel vm3, $0x1, v5  }
0x40: {  	v22 =	vsel vm4, $0x1, v5;
	vm3 =	vge.s32 v24, v15;
	v17 =	vld [tilespmem:s11+$0x1060];
	v20 =	vadd.s32 v21, v20  }
0x41: {  	v21 =	vadd.s32 v22, v20;
	v22 =	vsel vm3, $0x1, v5;
	vm3 =	vge.s32 v25, v15;
	v20 =	vld [tilespmem:s11+$0x1070];
	s11 =	sshra.s32 s12, $0x2;
	s12 =	sadd.s32 $0x200, s12  }
0x42: {  	v23 =	vld [tilespmem:s11+$0x1000];
	v21 =	vadd.s32 v22, v21;
	v43 =	vsel vm3, $0x1, v5;
	vm3 =	vge.s32 v19, v15  }
0x43: {  	v44 =	vld [tilespmem:s11+$0x1010];
	v21 =	vadd.s32 v43, v21;
	v45 =	vsel vm3, $0x1, v5;
	vm3 =	vge.s32 v18, v15  }
0x44: {  	v46 =	vld [tilespmem:s11+$0x1020];
	v21 =	vadd.s32 v45, v21;
	v47 =	vsel vm3, $0x1, v5;
	vm3 =	vge.s32 v16, v15  }
0x45: {  	v48 =	vld [tilespmem:s11+$0x1030];
	v21 =	vadd.s32 v47, v21;
	v49 =	vsel vm3, $0x1, v5;
	vm3 =	vge.s32 v17, v15  }
0x46: {  	v50 =	vld [tilespmem:s11+$0x1040];
	v21 =	vadd.s32 v49, v21;
	v51 =	vsel vm3, $0x1, v5;
	vm3 =	vge.s32 v20, v15  }
0x47: {  	v52 =	vld [tilespmem:s11+$0x1050];
	vm4 =	vge.s32 v23, v15;
	v21 =	vadd.s32 v51, v21;
	v53 =	vsel vm3, $0x1, v5  }
0x48: {  	v54 =	vld [tilespmem:s11+$0x1060];
	vm3 =	vge.s32 v44, v15;
	v23 =	vsel vm4, $0x1, v5;
	v21 =	vadd.s32 v53, v21  }
0x49: {  	v56 =	vld [tilespmem:s11+$0x1070];
	v55 =	vsel vm3, $0x1, v5;
	vm3 =	vge.s32 v46, v15;
	v21 =	vadd.s32 v23, v21  }
0x4a: {  	v57 =	vsel vm3, $0x1, v5;
	vm3 =	vge.s32 v48, v15;
	v21 =	vadd.s32 v55, v21  }
0x4b: {  	v59 =	vsel vm3, $0x1, v5;
	vm3 =	vge.s32 v50, v15;
	v58 =	vadd.s32 v57, v21  }
0x4c: {  	v17 =	vsel vm3, $0x1, v5;
	vm3 =	vge.s32 v52, v15;
	v16 =	vadd.s32 v59, v58  }
0x4d: {  	v60 =	vsel vm3, $0x1, v5;
	vm3 =	vge.s32 v54, v15;
	v16 =	vadd.s32 v17, v16  }
0x4e: {  	v61 =	vsel vm3, $0x1, v5;
	vm3 =	vge.s32 v56, v15;
	v16 =	vadd.s32 v60, v16  }
0x4f: {  	v62 =	vsel vm3, $0x1, v5;
	v16 =	vadd.s32 v61, v16  }
0x50: {  	v16 =	vadd.s32 v62, v16  }
0x51: {  	v17 =	vperm.xlane v16, v0;
	_ =	sdelay $0x1  }
0x52: {  	v16 =	vadd.s32 v16, v17  }
0x53: {  	v17 =	vperm.xlane v16, v1;
	_ =	sdelay $0x1  }
0x54: {  	v16 =	vadd.s32 v17, v16  }
0x55: {  	v17 =	vperm.xlane v16, v2  }
0x56: {  	s10 =	sadd.s32 $0x1, s10  }
0x57: {  	p1 =	sne.s32 s10, $0x1E;
	v16 =	vadd.s32 v17, v16  }
.Ltmp3:
0x58: {  	v17 =	vperm.xlane v16, v3;
	(pc) =	sbr.rel @p1 .LBB2_5-.Ltmp3, $4  }
0x59: {  	_ = 	snop  }
0x5a: {  	v16 =	vadd.s32 v17, v16  }
0x5b: {  	v63 =	vadd.s32 $0xFFFFFFFF, v15;
	vm3 =	vlt.s32 v16, v12  }
0x5c: {  	v11 =	vsel vm3, v11, v15;
	v14 =	vsel vm3, v63, v14  }
0x5d: {  	s12 =	simm.s32 $0x0  }
0x5e: {  	v14 =	vld [tilespmem:s12+$0x1000]  }
0x5f: {  	v16 =	vld [tilespmem:s12+$0x1010]  }
0x60: {  	v18 =	vld [tilespmem:s12+$0x1020]  }
0x61: {  	v17 =	vld [tilespmem:s12+$0x1030]  }
0x62: {  	v13 =	vadd.s32 $0x1, v11;
	v15 =	vld [tilespmem:s12+$0x1040]  }
0x63: {  	vm3 =	vge.s32 v14, v13;
	v14 =	vld [tilespmem:s12+$0x1050]  }
0x64: {  	v19 =	vimm.s32 $0x0;
	v20 =	vsel vm3, $0x1, v5;
	vm3 =	vge.s32 v16, v13;
	v16 =	vld [tilespmem:s12+$0x1060]  }
0x65: {  	s10 =	simm.s32 $0x80;
	s11 =	simm.s32 $0x400;
	v19 =	vadd.s32 v20, v19;
	v20 =	vsel vm3, $0x1, v5;
	vm3 =	vge.s32 v18, v13;
	v18 =	vld [tilespmem:s12+$0x1070]  }
.LBB2_9:
0x66: {  	p1 =	sne.s32 s11, $0x3E00;
	v21 =	vld [tilespmem:s10+$0x1000];
	v19 =	vadd.s32 v20, v19;
	v20 =	vsel vm3, $0x1, v5;
	vm3 =	vge.s32 v17, v13  }
0x67: {  	v22 =	vld [tilespmem:s10+$0x1010];
	v17 =	vadd.s32 v20, v19;
	v19 =	vsel vm3, $0x1, v5;
	vm3 =	vge.s32 v15, v13  }
0x68: {  	v23 =	vld [tilespmem:s10+$0x1020];
	v15 =	vadd.s32 v19, v17;
	v19 =	vsel vm3, $0x1, v5;
	vm3 =	vge.s32 v14, v13  }
.Ltmp4:
0x69: {  	v17 =	vld [tilespmem:s10+$0x1030];
	v14 =	vadd.s32 v19, v15;
	v19 =	vsel vm3, $0x1, v5;
	vm3 =	vge.s32 v16, v13;
	(pc) =	sbr.rel @p1 .LBB2_9-.Ltmp4, $4  }
0x6a: {  	v15 =	vld [tilespmem:s10+$0x1040];
	v16 =	vadd.s32 v19, v14;
	v19 =	vsel vm3, $0x1, v5;
	vm3 =	vge.s32 v18, v13  }
0x6b: {  	vm4 =	vge.s32 v21, v13;
	v14 =	vld [tilespmem:s10+$0x1050];
	v18 =	vadd.s32 v19, v16;
	v19 =	vsel vm3, $0x1, v5  }
0x6c: {  	v20 =	vsel vm4, $0x1, v5;
	vm3 =	vge.s32 v22, v13;
	v16 =	vld [tilespmem:s10+$0x1060];
	v18 =	vadd.s32 v19, v18  }
0x6d: {  	v19 =	vadd.s32 v20, v18;
	v20 =	vsel vm3, $0x1, v5;
	vm3 =	vge.s32 v23, v13;
	v18 =	vld [tilespmem:s10+$0x1070];
	s10 =	sshra.s32 s11, $0x2;
	s11 =	sadd.s32 $0x200, s11  }
0x6e: {  	v21 =	vld [tilespmem:s10+$0x1000];
	v19 =	vadd.s32 v20, v19;
	v20 =	vsel vm3, $0x1, v5;
	vm3 =	vge.s32 v17, v13  }
0x6f: {  	v17 =	vld [tilespmem:s10+$0x1010];
	v19 =	vadd.s32 v20, v19;
	v20 =	vsel vm3, $0x1, v5;
	vm3 =	vge.s32 v15, v13  }
0x70: {  	v15 =	vld [tilespmem:s10+$0x1020];
	v19 =	vadd.s32 v20, v19;
	v20 =	vsel vm3, $0x1, v5;
	vm3 =	vge.s32 v14, v13  }
0x71: {  	v14 =	vld [tilespmem:s10+$0x1030];
	v19 =	vadd.s32 v20, v19;
	v20 =	vsel vm3, $0x1, v5;
	vm3 =	vge.s32 v16, v13  }
0x72: {  	v16 =	vld [tilespmem:s10+$0x1040];
	v19 =	vadd.s32 v20, v19;
	v20 =	vsel vm3, $0x1, v5;
	vm3 =	vge.s32 v18, v13  }
0x73: {  	v18 =	vld [tilespmem:s10+$0x1050];
	vm4 =	vge.s32 v21, v13;
	v19 =	vadd.s32 v20, v19;
	v20 =	vsel vm3, $0x1, v5  }
0x74: {  	vm3 =	vge.s32 v17, v13;
	v17 =	vld [tilespmem:s10+$0x1060];
	v21 =	vsel vm4, $0x1, v5;
	v19 =	vadd.s32 v20, v19  }
0x75: {  	v20 =	vsel vm3, $0x1, v5;
	vm3 =	vge.s32 v15, v13;
	v15 =	vld [tilespmem:s10+$0x1070];
	v19 =	vadd.s32 v21, v19  }
0x76: {  	v19 =	vadd.s32 v20, v19;
	v20 =	vsel vm3, $0x1, v5;
	vm3 =	vge.s32 v14, v13  }
0x77: {  	v14 =	vadd.s32 v20, v19;
	v19 =	vsel vm3, $0x1, v5;
	vm3 =	vge.s32 v16, v13  }
0x78: {  	v14 =	vadd.s32 v19, v14;
	v16 =	vsel vm3, $0x1, v5;
	vm3 =	vge.s32 v18, v13  }
0x79: {  	v14 =	vadd.s32 v16, v14;
	v16 =	vsel vm3, $0x1, v5;
	vm3 =	vge.s32 v17, v13  }
0x7a: {  	v14 =	vadd.s32 v16, v14;
	v16 =	vsel vm3, $0x1, v5;
	vm3 =	vge.s32 v15, v13  }
0x7b: {  	v13 =	vadd.s32 v16, v14;
	v14 =	vsel vm3, $0x1, v5  }
0x7c: {  	v13 =	vadd.s32 v14, v13  }
0x7d: {  	s10 =	simm.s32 $0x0;
	v14 =	vperm.xlane v13, v0  }
0x7e: {  	v15 =	vld [tilespmem:s10+$0x1000]  }
0x7f: {  	v13 =	vadd.s32 v13, v14  }
0x80: {  	v14 =	vperm.xlane v13, v1;
	_ =	sdelay $0x1  }
0x81: {  	v13 =	vadd.s32 v14, v13  }
0x82: {  	vm3 =	veq.s32 v15, v11;
	v14 =	vperm.xlane v13, v2  }
0x83: {  	v16 =	vsel vm3, $0x1, v5  }
0x84: {  	v17 =	vperm.xlane v16, v0;
	v13 =	vadd.s32 v14, v13;
	v14 =	vperm.xlane v16, v4  }
0x85: {  	vm4 =	veq.s32 v8, $0x0;
	v18 =	vperm.xlane v13, v3  }
0x86: {  	s11 =	simm.s32 $0x10;
	v17 =	vadd.s32 v16, v17;
	v14 =	vsel vm4, $0x0, v14  }
0x87: {  	v13 =	vadd.s32 v13, v18;
	v14 =	vadd.s32 v16, v14;
	v16 =	vperm.xlane v17, v1;
	v18 =	vld [tilespmem:s11+$0x1000]  }
0x88: {  	vm5 =	vgt.s32 v15, v11;
	v15 =	vsel vm3, $0xFFFFFFFF, v5;
	v19 =	vperm.xlane v14, v6  }
0x89: {  	v12 =	vsub.s32 v12, v13;
	v13 =	vimm.s32 $0x0;
	v16 =	vadd.s32 v16, v17  }
0x8a: {  	v20 =	vadd.s32 v15, v13;
	v15 =	vsel vm0, $0x0, v19;
	v17 =	vperm.xlane v16, v2  }
0x8b: {  	vm7 =	vmmov vm5;
	vm6 =	vmmov vm3;
	v14 =	vadd.s32 v15, v14  }
0x8c: {  	v15 =	vperm.xlane v14, v7;
	v17 =	vadd.s32 v17, v16;
	vm3 =	veq.s32 v18, v11  }
0x8d: {  	vm5 =	vgt.s32 v18, v11;
	v16 =	vperm.xlane v17, v3;
	v18 =	vsel vm3, $0x1, v5  }
0x8e: {  	v15 =	vsel vm1, $0x0, v15;
	v19 =	vperm.xlane v18, v4;
	v21 =	vperm.xlane v18, v0  }
0x8f: {  	v22 =	vsel vm3, $0xFFFFFFFF, v5;
	v13 =	vadd.s32 v13, v16;
	v16 =	vadd.s32 v15, v14  }
0x90: {  	v15 =	vsel vm4, $0x0, v19;
	v21 =	vadd.s32 v18, v21;
	v23 =	vperm.xlane v16, v9  }
0x91: {  	v14 =	vadd.s32 v17, v13;
	v17 =	vadd.s32 v18, v15;
	v18 =	vperm.xlane v21, v1  }
0x92: {  	s12 =	simm.s32 $0x20;
	v13 =	vadd.s32 v22, v14;
	v19 =	vperm.xlane v17, v6;
	v22 =	vsel vm2, $0x0, v23  }
0x93: {  	s13 =	simm.s32 $0xC0;
	s14 =	simm.s32 $0x100;
	vm7 =	vmmov vm7;
	v15 =	vld [tilespmem:s12+$0x1000];
	v18 =	vadd.s32 v18, v21;
	v20 =	vadd.s32 v22, v20  }
.LBB2_11:
0x94: {  	v19 =	vsel vm0, $0x0, v19;
	v21 =	vperm.xlane v18, v2;
	v16 =	vadd.s32 v16, v20  }
0x95: {  	p1 =	sne.s32 s14, $0x3FC0;
	vm8 =	vmmov vm5;
	vm5 =	vmmov vm6;
	vm6 =	vmmov vm3;
	s15 =	smov.u32 s12  }
0x96: {  	v17 =	vadd.s32 v19, v17;
	vm3 =	vlt.s32 v16, v12  }
0x97: {  	v16 =	vperm.xlane v17, v7;
	v18 =	vadd.s32 v21, v18;
	vm9 =	vmand vm5, vm3  }
0x98: {  	vm5 =	vgt.s32 v15, v11;
	vm3 =	veq.s32 v15, v11;
	v15 =	vperm.xlane v18, v3  }
0x99: {  	v19 =	vsel vm3, $0xFFFFFFFF, v5;
	v20 =	vsel vm3, $0x1, v5;
	v16 =	vsel vm1, $0x0, v16  }
0x9a: {  	v21 =	vperm.xlane v20, v4;
	v22 =	vperm.xlane v20, v0;
	v14 =	vadd.s32 v14, v15  }
.Ltmp5:
0x9b: {  	vm7 =	vmor vm7, vm9;
	v16 =	vadd.s32 v16, v17;
	v14 =	vadd.s32 v18, v14;
	(pc) =	sbr.rel @p1 .LBB2_11-.Ltmp5, $4  }
0x9c: {  	v15 =	vsel vm4, $0x0, v21;
	v18 =	vadd.s32 v20, v22;
	v21 =	vperm.xlane v16, v9  }
0x9d: {  	s12 =	sshra.s32 s13, $0x2;
	s13 =	smov.u32 s14;
	v22 =	vadd.s32 v19, v14;
	v17 =	vadd.s32 v20, v15;
	v20 =	vperm.xlane v18, v1  }
0x9e: {  	v23 =	vsel vm7, $0x3F800000, v10;
	v15 =	vld [tilespmem:s12+$0x1000];
	v19 =	vperm.xlane v17, v6;
	v21 =	vsel vm2, $0x0, v21  }
0x9f: {  	s14 =	sadd.s32 $0x40, s14;
	vm7 =	vmmov vm8;
	v18 =	vadd.s32 v20, v18;
	v20 =	vadd.s32 v21, v13;
	[tilespmem:s10+$0x2000] =	vst v23;
	v13 =	vmovc v22;
	s10 =	smov.u32 s11;
	s11 =	smov.u32 s15  }
0xa0: {  	v19 =	vsel vm0, $0x0, v19;
	v21 =	vperm.xlane v18, v2;
	v16 =	vadd.s32 v16, v20  }
0xa1: {  	vm4 =	vmmov vm6;
	vm9 =	veq.s32 v8, $0x0;
	vm5 =	vmmov vm5  }
0xa2: {  	s13 =	sshra.s32 s13, $0x2;
	vm3 =	vmmov vm3;
	v17 =	vadd.s32 v19, v17;
	vm8 =	vlt.s32 v16, v12  }
0xa3: {  	v39 =	vld [tilespmem:s13+$0x1000];
	vm5 =	vmmov vm5;
	vm3 =	vmmov vm3;
	v19 =	vperm.xlane v17, v7  }
0xa4: {  	v18 =	vadd.s32 v21, v18;
	vm8 =	vmand vm4, vm8;
	vm12 =	veq.s32 v15, v11  }
0xa5: {  	v40 =	vperm.xlane v18, v3;
	vm7 =	vmor vm7, vm8;
	vm13 =	vgt.s32 v15, v11  }
0xa6: {  	v41 =	vsel vm12, $0x1, v5;
	v19 =	vsel vm1, $0x0, v19;
	v48 =	vsel vm12, $0xFFFFFFFF, v5  }
0xa7: {  	v51 =	vsel vm7, $0x3F800000, v10;
	vm14 =	vmmov vm13;
	vm6 =	vmmov vm12  }
0xa8: {  	v22 =	vperm.xlane v41, v4;
	v23 =	vperm.xlane v41, v0;
	vm4 =	veq.s32 v39, v11  }
0xa9: {  	v14 =	vadd.s32 v14, v40;
	v42 =	vadd.s32 v19, v17;
	v46 =	vsel vm4, $0x1, v5  }
0xaa: {  	vm6 =	vmmov vm6;
	v14 =	vadd.s32 v18, v14;
	v47 =	vperm.xlane v46, v4  }
0xab: {  	v19 =	vperm.xlane v42, v9;
	vm12 =	vgt.s32 v39, v11;
	v43 =	vsel vm9, $0x0, v22  }
0xac: {  	v44 =	vadd.s32 v41, v23;
	v17 =	vadd.s32 v41, v43;
	v22 =	vsel vm9, $0x0, v47  }
0xad: {  	v50 =	vadd.s32 v48, v14;
	v49 =	vperm.xlane v17, v6;
	v21 =	vadd.s32 v46, v22  }
0xae: {  	v58 =	vsel vm4, $0xFFFFFFFF, v5;
	v45 =	vperm.xlane v44, v1;
	v53 =	vperm.xlane v21, v6  }
0xaf: {  	vm13 =	vmmov vm12;
	v19 =	vsel vm2, $0x0, v19;
	v23 =	vsel vm0, $0x0, v49  }
0xb0: {  	v18 =	vadd.s32 v45, v44;
	v17 =	vadd.s32 v23, v17;
	v16 =	vsel vm0, $0x0, v53  }
0xb1: {  	v52 =	vperm.xlane v18, v2;
	v23 =	vperm.xlane v17, v7;
	v16 =	vadd.s32 v16, v21  }
0xb2: {  	vm4 =	vmmov vm4;
	v13 =	vadd.s32 v19, v13;
	v56 =	vperm.xlane v16, v7  }
0xb3: {  	v13 =	vadd.s32 v42, v13;
	v54 =	vadd.s32 v52, v18;
	v55 =	vsel vm1, $0x0, v23  }
0xb4: {  	v18 =	vperm.xlane v54, v3;
	v11 =	vadd.s32 v55, v17;
	v57 =	vsel vm1, $0x0, v56  }
0xb5: {  	vm15 =	vlt.s32 v13, v12;
	v17 =	vperm.xlane v11, v9;
	v59 =	vadd.s32 v57, v16  }
0xb6: {  	vm3 =	vmand vm3, vm15;
	v14 =	vadd.s32 v14, v18;
	v61 =	vperm.xlane v59, v9  }
0xb7: {  	vm3 =	vmor vm5, vm3;
	v13 =	vadd.s32 v54, v14;
	v60 =	vsel vm2, $0x0, v17  }
0xb8: {  	v13 =	vadd.s32 v58, v13;
	v15 =	vadd.s32 v60, v50;
	v63 =	vsel vm2, $0x0, v61  }
0xb9: {  	v62 =	vsel vm3, $0x3F800000, v10;
	v11 =	vadd.s32 v11, v15;
	v13 =	vadd.s32 v63, v13  }
0xba: {  	vm3 =	vmmov vm14;
	vm14 =	vlt.s32 v11, v12;
	v11 =	vadd.s32 v59, v13  }
0xbb: {  	vm4 =	vmmov vm4;
	vm6 =	vmand vm6, vm14;
	vm15 =	vlt.s32 v11, v12  }
0xbc: {  	[tilespmem:s10+$0x2000] =	vst v51;
	vm5 =	vmmov vm13;
	vm3 =	vmor vm3, vm6;
	vm4 =	vmand vm4, vm15  }
0xbd: {  	s9 =	sadd.s32 $0x1, s9;
	[tilespmem:s11+$0x2000] =	vst v62;
	v11 =	vsel vm3, $0x3F800000, v10;
	vm3 =	vmor vm5, vm4  }
0xbe: {  	p1 =	sne.s32 s9, s5;
	[tilespmem:s12+$0x2000] =	vst v11;
	v11 =	vsel vm3, $0x3F800000, v10  }
.Ltmp6:
0xbf: {  	[tilespmem:s13+$0x2000] =	vst v11;
	(pc) =	sbr.rel @p1 .LBB2_2-.Ltmp6, $4  }
0xc0: {  	[hbm4b:s3+s2] =	stream.linear.scatter [tilespmem:s8], [sflag:$0x1], $0x1000, $0x38;
	[tilespmem:$0x3080] =	vst v63  }
0xc1: {  	_ =	swait.ge [sflag:s6], $0x1000  }
0xc2: {  	[sflag:s6] =	ssyncset.done $0x0  }
0xc3: {  	[sflag:s6] =	ssyncadd.s32 $0xFFFFF000  }
.LBB2_13:
0xc4: {  	_ =	sfence.sel $0x180000  }
0xc5: {  	[bflag:$0x0] =	sbarrier.arrive $0xFFFF  }
0xc6: {  	_ =	strace $0x90000047  }
0xc7: {  	s0 =	sadd.s32 @!p0 $0x100000, s0;
	[bflag:$0x2] =	sbarrier.arrive $0xFFFF  }
0xc8: {  	[sflag:s0] =	ssyncadd.tile.s32 @!p0 $0x1;
	_ =	shalt  }
.Lfunc_end2:
_tile_overlayer_lowered:
.L_overlay_start_2:
0xc9: {  	(tag) =	ssettag $0x2  }
0xca: {  	s0 =	rddreg [dreg:$0x0];
	s2 =	stileid.u32  }
0xcb: {  	s1 =	rddreg [dreg:$0x1];
	p0 =	sne.s32 s2, $0x0  }
0xcc: {  	s3 =	rddreg [dreg:$0x2];
	[bflag:$0x3] =	sbarrier.arrive $0xFFFF;
	s2 =	simm.s32 @!p0 $0x1C01  }
0xcd: {  	[timem:s3], [sflag:s2] =	dma.local @!p0 [hbm:s0], s1  }
0xce: {  	s0 =	simm.s32 @!p0 $0x1  }
0xcf: {  	_ =	swait.ge @!p0 [sflag:s0], s1  }
0xd0: {  	s1 =	ssub.s32 @!p0 $0x0, s1;
	[sflag:s0] =	ssyncset.done @!p0 $0x0  }
0xd1: {  	[sflag:s0] =	ssyncadd.s32 @!p0 s1  }
0xd2: {  	[bflag:$0x3] =	sbarrier.arrive $0xFFFF  }
0xd3: {  	_ =	shalt  }

</sc_bundles>
